<compile_context>
chip_gen: v7x
topology: tpu7x:2x2x1
jax: 0.10.2.dev20260603
libtpu: 0.0.44.dev20260713+nightly
codegen_flags: <defaults>
</compile_context>

<pallas_src>
import jax
import jax.numpy as jnp
from jax import lax
from jax.experimental import pallas as pl
from jax.experimental.pallas import tpu as pltpu
from jax.experimental.pallas import tpu_sc as plsc

T = 2048
D = 768
FF = 1536
E = 64
NE = 80
NEP = 128
ZE_BASE = E
CAP = 64
SLOTS = E * CAP
EPB = 2
BLK = EPB * CAP
TBL_ZERO = SLOTS
TBL_X = SLOTS + BLK
TBL_ROWS = TBL_X + T
ROW_BLK = 256

NC, NS, L = 2, 16, 16
NW = NC * NS
TOK_W = T // NW
SLOT_W = SLOTS // NW


def _router_body(x_ref, wr_ref, bias_ref, r_out_ref, wz_ref, tid_ref,
                 wslot_ref):
    x = x_ref[...]
    wr = wr_ref[...]
    logits = lax.dot_general(x, wr, (((1,), (1,)), ((), ())),
                             preferred_element_type=jnp.float32)
    col = lax.broadcasted_iota(jnp.int32, (T, NEP), 1)
    real = col < NE
    l = jnp.where(real, logits, -1e30)
    m = jnp.max(l, axis=1, keepdims=True)
    p = jnp.exp(l - m)
    p = jnp.where(real, p, 0.0)
    scores = p / jnp.sum(p, axis=1, keepdims=True)
    biased = jnp.where(real, scores + bias_ref[...], -1e30)
    bm = jnp.max(biased, axis=1, keepdims=True)
    sel = jnp.min(jnp.where(biased >= bm, col, NEP), axis=1, keepdims=True)
    w_tok = jnp.sum(jnp.where(col == sel, scores, 0.0), axis=1, keepdims=True)
    is_zero = sel >= ZE_BASE
    valid = sel < E
    oh = jnp.where((col == sel) & valid, 1.0, 0.0)
    run = jnp.zeros((1, NEP), jnp.float32)
    pos_blocks = []
    r_i = lax.broadcasted_iota(jnp.int32, (ROW_BLK, ROW_BLK), 0)
    c_i = lax.broadcasted_iota(jnp.int32, (ROW_BLK, ROW_BLK), 1)
    tril = jnp.where(r_i > c_i, 1.0, 0.0)
    for b in range(T // ROW_BLK):
        ohb = oh[b * ROW_BLK:(b + 1) * ROW_BLK]
        pb = lax.dot_general(tril, ohb, (((1,), (0,)), ((), ())),
                             preferred_element_type=jnp.float32) + run
        pos_blocks.append(pb)
        run = run + jnp.sum(ohb, axis=0, keepdims=True)
    posfull = jnp.concatenate(pos_blocks, axis=0)
    pos = jnp.sum(posfull * oh, axis=1, keepdims=True).astype(jnp.int32)
    keep = valid & (pos < CAP)
    slot = sel * CAP + pos
    tok = lax.broadcasted_iota(jnp.int32, (T, 1), 0)
    r_out_ref[...] = jnp.where(
        keep, slot,
        jnp.where(is_zero, TBL_X + tok, TBL_ZERO + (tok & (BLK - 1))))
    wz_ref[...] = jnp.where(is_zero, w_tok, 0.0)
    tokf = tok.astype(jnp.float32)
    colp = lax.broadcasted_iota(jnp.int32, (T, CAP), 1)
    pmask = jnp.where((colp == pos) & keep, 1.0, 0.0)
    rhs = jnp.concatenate([pmask * tokf, pmask * w_tok, pmask],
                          axis=1)
    inv = lax.dot_general(oh, rhs, (((0,), (0,)), ((), ())),
                          precision=lax.Precision.HIGHEST,
                          preferred_element_type=jnp.float32)
    tsum = inv[:E, 0:CAP]
    wsum = inv[:E, CAP:2 * CAP]
    cnt = inv[:E, 2 * CAP:3 * CAP]
    slotidx = (lax.broadcasted_iota(jnp.int32, (E, CAP), 0) * CAP
               + lax.broadcasted_iota(jnp.int32, (E, CAP), 1))
    dummy = (slotidx & (T - 1)).astype(jnp.float32)
    tid_ref[...] = jnp.round(jnp.where(cnt > 0.5, tsum, dummy)).astype(
        jnp.int32)
    wslot_ref[...] = wsum


def _router(x, wr_pad, bias_pad):
    return pl.pallas_call(
        _router_body,
        out_shape=(
            jax.ShapeDtypeStruct((T, 1), jnp.int32),
            jax.ShapeDtypeStruct((T, 1), jnp.float32),
            jax.ShapeDtypeStruct((E, CAP), jnp.int32),
            jax.ShapeDtypeStruct((E, CAP), jnp.float32),
        ),
    )(x, wr_pad, bias_pad)


SLOT_H = SLOT_W // 2


def _dispatch_body(tid_hbm, x_hbm, buf_hbm, tid_a, tid_b, rows_a, rows_b,
                   sem_a, sem_b):
    wid = lax.axis_index("s") * NC + lax.axis_index("c")
    base = wid * SLOT_W
    pltpu.sync_copy(tid_hbm.at[pl.ds(base, SLOT_H)], tid_a)
    pltpu.sync_copy(tid_hbm.at[pl.ds(base + SLOT_H, SLOT_H)], tid_b)
    cp_a = pltpu.async_copy(x_hbm.at[tid_a], rows_a, sem_a)
    cp_b = pltpu.async_copy(x_hbm.at[tid_b], rows_b, sem_b)
    cp_a.wait()
    pltpu.sync_copy(rows_a, buf_hbm.at[pl.ds(base, SLOT_H)])
    cp_b.wait()
    pltpu.sync_copy(rows_b, buf_hbm.at[pl.ds(base + SLOT_H, SLOT_H)])


def _dispatch(tid, x):
    mesh = plsc.VectorSubcoreMesh(core_axis_name="c", subcore_axis_name="s")
    return pl.kernel(
        _dispatch_body,
        mesh=mesh,
        out_type=jax.ShapeDtypeStruct((SLOTS, D), jnp.float32),
        scratch_types=[
            pltpu.VMEM((SLOT_H,), jnp.int32),
            pltpu.VMEM((SLOT_H,), jnp.int32),
            pltpu.VMEM((SLOT_H, D), jnp.float32),
            pltpu.VMEM((SLOT_H, D), jnp.float32),
            pltpu.SemaphoreType.DMA,
            pltpu.SemaphoreType.DMA,
        ],
        compiler_params=pltpu.CompilerParams(needs_layout_passes=False),
    )(tid, x)


NEXP = E // EPB


def _mlp_body(buf_ref, wslot_ref, wg_ref, wu_ref, wd_ref, x_ref, wz_ref,
              out_ref):
    i = pl.program_id(0)

    @pl.when(i < NEXP)
    def _():
        for e in range(EPB):
            xb = buf_ref[e * CAP:(e + 1) * CAP].astype(jnp.bfloat16)
            g = jnp.dot(xb, wg_ref[e].astype(jnp.bfloat16),
                        preferred_element_type=jnp.float32)
            u = jnp.dot(xb, wu_ref[e].astype(jnp.bfloat16),
                        preferred_element_type=jnp.float32)
            h = g * jax.nn.sigmoid(g) * u
            o = jnp.dot(h.astype(jnp.bfloat16), wd_ref[e].astype(jnp.bfloat16),
                        preferred_element_type=jnp.float32)
            out_ref[e * CAP:(e + 1) * CAP] = (
                o * wslot_ref[pl.ds(i * BLK + e * CAP, CAP), :])

    @pl.when(i == NEXP)
    def _():
        out_ref[...] = jnp.zeros((BLK, D), jnp.float32)

    @pl.when(i > NEXP)
    def _():
        blk0 = jnp.maximum(i - (NEXP + 1), 0) * BLK
        out_ref[...] = x_ref[...] * wz_ref[pl.ds(blk0, BLK), :]


def _expert_mlp(buf, wslot2d, w_gate, w_up, w_down, x, wz):
    nsteps = NEXP + 1 + T // BLK
    return pl.pallas_call(
        _mlp_body,
        grid=(nsteps,),
        in_specs=[
            pl.BlockSpec((BLK, D), lambda i: (jnp.minimum(i, NEXP - 1), 0)),
            pl.BlockSpec((SLOTS, 1), lambda i: (0, 0)),
            pl.BlockSpec((EPB, D, FF), lambda i: (jnp.minimum(i, NEXP - 1), 0, 0)),
            pl.BlockSpec((EPB, D, FF), lambda i: (jnp.minimum(i, NEXP - 1), 0, 0)),
            pl.BlockSpec((EPB, FF, D), lambda i: (jnp.minimum(i, NEXP - 1), 0, 0)),
            pl.BlockSpec((BLK, D), lambda i: (jnp.maximum(i - (NEXP + 1), 0), 0)),
            pl.BlockSpec((T, 1), lambda i: (0, 0)),
        ],
        out_specs=pl.BlockSpec((BLK, D), lambda i: (i, 0)),
        out_shape=jax.ShapeDtypeStruct((TBL_ROWS, D), jnp.float32),
        compiler_params=pltpu.CompilerParams(
            dimension_semantics=("arbitrary",),
            vmem_limit_bytes=63 * 1024 * 1024),
    )(buf, wslot2d, w_gate, w_up, w_down, x, wz)


def _combine_body(rout_hbm, table_hbm, y_hbm, myr_v, rows_v, sem):
    wid = lax.axis_index("s") * NC + lax.axis_index("c")
    base = wid * TOK_W
    pltpu.sync_copy(rout_hbm.at[pl.ds(base, TOK_W)], myr_v)
    pltpu.async_copy(table_hbm.at[myr_v], rows_v, sem).wait()
    pltpu.sync_copy(rows_v, y_hbm.at[pl.ds(base, TOK_W)])


def _combine(r_out, table):
    mesh = plsc.VectorSubcoreMesh(core_axis_name="c", subcore_axis_name="s")
    return pl.kernel(
        _combine_body,
        mesh=mesh,
        out_type=jax.ShapeDtypeStruct((T, D), jnp.float32),
        scratch_types=[
            pltpu.VMEM((TOK_W,), jnp.int32),
            pltpu.VMEM((TOK_W, D), jnp.float32),
            pltpu.SemaphoreType.DMA,
        ],
        compiler_params=pltpu.CompilerParams(needs_layout_passes=False),
    )(r_out, table)


def kernel(hidden_states, w_router, e_score_correction_bias, w_gate, w_up,
           w_down):
    x = hidden_states.astype(jnp.float32)
    wr_pad = jnp.pad(w_router.astype(jnp.float32), ((0, NEP - NE), (0, 0)))
    bias_pad = jnp.pad(e_score_correction_bias.astype(jnp.float32),
                       (0, NEP - NE)).reshape(1, NEP)
    r_out, wz, tid, wslot = _router(x, wr_pad, bias_pad)
    buf = _dispatch(tid.reshape(-1), x)
    table = _expert_mlp(buf, wslot.reshape(SLOTS, 1), w_gate, w_up, w_down,
                        x, wz)
    return _combine(r_out.reshape(-1), table)

# --- scband reference (transcript-rebuilt; emitter-appended) ---
"""Pipeline reference for scband-flash-ngram-model-48421461295452 (READ-ONLY COPY).

The authoritative reference and input builder live on the scoring server;
editing this copy changes nothing except your own understanding.
"""

import jax, jax.numpy as jnp
import numpy as np

T = 2048
D = 768
FF = 1536
E = 64
ZE = 16
K = 1
CAP = 64  # 2x average expert load; drops statistically negligible
SCALE = 1.0


def setup_inputs(seed: int = 0) -> dict:
    key = jax.random.key(seed)
    ks = jax.random.split(key, 6)
    return {
        "hidden_states": jax.random.normal(ks[0], (T, D), dtype=jnp.float32),
        "w_router": jax.random.normal(ks[1], (E + ZE, D), dtype=jnp.float32) * 0.02,
        "e_score_correction_bias": jnp.zeros((E + ZE,), dtype=jnp.float32),
        "w_gate": jax.random.normal(ks[2], (E, D, FF), dtype=jnp.float32) * 0.02,
        "w_up": jax.random.normal(ks[3], (E, D, FF), dtype=jnp.float32) * 0.02,
        "w_down": jax.random.normal(ks[4], (E, FF, D), dtype=jnp.float32) * 0.02,
    }


def reference(hidden_states, w_router, e_score_correction_bias, w_gate, w_up, w_down):
    Tt, Dd = hidden_states.shape
    # LongcatRouter: float32 classifier logits over routed + zero experts
    logits = hidden_states.astype(jnp.float32) @ w_router.T  # [T, E+ZE]
    scores = jax.nn.softmax(logits, axis=-1)
    # top-k selection uses bias-corrected scores; routing weights use raw scores
    _, sel = jax.lax.top_k(scores + e_score_correction_bias[None, :], K)  # [T, K]
    routing_w = jnp.take_along_axis(scores, sel, axis=-1) * SCALE  # [T, K] (renormalize=False)
    flat_idx = sel.reshape(-1)
    flat_w = routing_w.reshape(-1)
    x_rep = jnp.repeat(hidden_states, K, axis=0)  # [T*K, D]
    is_zero = flat_idx >= E  # zero experts act as identity
    eid = jnp.where(is_zero, 0, flat_idx)
    valid = (~is_zero).astype(jnp.float32)
    # capacity-based dispatch (position within expert via masked cumsum)
    oh = jax.nn.one_hot(eid, E, dtype=jnp.float32) * valid[:, None]
    pos = jnp.sum((jnp.cumsum(oh, axis=0) - 1.0) * oh, axis=-1).astype(jnp.int32)
    keep = valid * (pos < CAP).astype(jnp.float32)
    pos_c = jnp.clip(pos, 0, CAP - 1)
    buf = jnp.zeros((E, CAP, Dd), jnp.float32).at[eid, pos_c].add(x_rep * keep[:, None])
    # expert MLP: SiluAndMul(gate_up) -> down
    g = jnp.einsum('ecd,edf->ecf', buf, w_gate)
    u = jnp.einsum('ecd,edf->ecf', buf, w_up)
    h = jax.nn.silu(g) * u
    out_e = jnp.einsum('ecf,efd->ecd', h, w_down)
    y_routed = out_e[eid, pos_c] * keep[:, None]
    y_zero = x_rep * is_zero.astype(jnp.float32)[:, None]
    y = (y_routed + y_zero) * flat_w[:, None]
    return y.reshape(Tt, K, Dd).sum(axis=1)

if __name__ == "__main__":
    import jax
    _d = setup_inputs()
    print(jax.jit(kernel)(*tuple(_d.values())))

</pallas_src>

<mosaic_0001>
#map = affine_map<(d0, d1) -> (0)>
#map1 = affine_map<(d0, d1) -> (0, 0)>
module attributes {stable_mosaic.version = 14 : i64} {
  func.func @_dispatch_body(%arg0: i32, %arg1: i32, %arg2: memref<4096xi32, #tpu.memory_space<hbm>>, %arg3: memref<2048x768xf32, #tpu.memory_space<hbm>>, %arg4: memref<4096x768xf32, #tpu.memory_space<hbm>>, %arg5: memref<64xi32, #tpu.memory_space<vmem>>, %arg6: memref<64xi32, #tpu.memory_space<vmem>>, %arg7: memref<64x768xf32, #tpu.memory_space<vmem>>, %arg8: memref<64x768xf32, #tpu.memory_space<vmem>>, %arg9: memref<!tpu.dma_semaphore, #tpu.memory_space<semaphore_mem>>, %arg10: memref<!tpu.dma_semaphore, #tpu.memory_space<semaphore_mem>>) attributes {dimension_semantics = [#tpu.dimension_semantics<core_parallel>, #tpu.dimension_semantics<subcore_parallel>], iteration_bounds = array<i64: 2, 16>, scalar_prefetch = 0 : i64, scratch_operands = 6 : i64, tpu.core_type = #tpu.core_type<sc_vector_subcore>, window_params = [{transform_indices = #map}, {transform_indices = #map1}, {transform_indices = #map1}]} {
    %mul3A = arith.constant 2 : i32
    %mul3A_0 = arith.muli %arg1, %mul3A : i32
    %add3A = arith.addi %mul3A_0, %arg0 : i32
    %mul3A_1 = arith.constant 128 : i32
    %mul3A_2 = arith.muli %add3A, %mul3A_1 : i32
    "tpu.region"() ({
      %run_scoped3A = tpu.sem_alloc : memref<!tpu.dma_semaphore, #tpu.memory_space<semaphore_mem>>
      %dma_start3A_17 = tpu.memref_slice %arg2[%mul3A_2] : memref<4096xi32, #tpu.memory_space<hbm>> -> memref<64xi32, #tpu.memory_space<hbm>>
      %dma_start3A_18 = tpu.memref_slice %arg2[%mul3A_2] : memref<4096xi32, #tpu.memory_space<hbm>> -> memref<64xi32, #tpu.memory_space<hbm>>
      tpu.enqueue_dma source(%dma_start3A_18 : memref<64xi32, #tpu.memory_space<hbm>>) target(%arg5 : memref<64xi32, #tpu.memory_space<vmem>>) target_semaphore(%run_scoped3A : memref<!tpu.dma_semaphore, #tpu.memory_space<semaphore_mem>>)
      %dma_wait3A_19 = tpu.memref_slice %arg2[%mul3A_2] : memref<4096xi32, #tpu.memory_space<hbm>> -> memref<64xi32, #tpu.memory_space<hbm>>
      %dma_wait3A_20 = tpu.memref_slice %arg2[%mul3A_2] : memref<4096xi32, #tpu.memory_space<hbm>> -> memref<64xi32, #tpu.memory_space<hbm>>
      tpu.wait_dma2 semaphore(%run_scoped3A : memref<!tpu.dma_semaphore, #tpu.memory_space<semaphore_mem>>) src(%dma_wait3A_20 : memref<64xi32, #tpu.memory_space<hbm>>) dst(%arg5 : memref<64xi32, #tpu.memory_space<vmem>>)
      tpu.yield
    }) : () -> ()
    %add3A_3 = arith.constant 64 : i32
    %add3A_4 = arith.addi %mul3A_2, %add3A_3 : i32
    "tpu.region"() ({
      %run_scoped3A = tpu.sem_alloc : memref<!tpu.dma_semaphore, #tpu.memory_space<semaphore_mem>>
      %dma_start3A_17 = tpu.memref_slice %arg2[%add3A_4] : memref<4096xi32, #tpu.memory_space<hbm>> -> memref<64xi32, #tpu.memory_space<hbm>>
      %dma_start3A_18 = tpu.memref_slice %arg2[%add3A_4] : memref<4096xi32, #tpu.memory_space<hbm>> -> memref<64xi32, #tpu.memory_space<hbm>>
      tpu.enqueue_dma source(%dma_start3A_18 : memref<64xi32, #tpu.memory_space<hbm>>) target(%arg6 : memref<64xi32, #tpu.memory_space<vmem>>) target_semaphore(%run_scoped3A : memref<!tpu.dma_semaphore, #tpu.memory_space<semaphore_mem>>)
      %dma_wait3A_19 = tpu.memref_slice %arg2[%add3A_4] : memref<4096xi32, #tpu.memory_space<hbm>> -> memref<64xi32, #tpu.memory_space<hbm>>
      %dma_wait3A_20 = tpu.memref_slice %arg2[%add3A_4] : memref<4096xi32, #tpu.memory_space<hbm>> -> memref<64xi32, #tpu.memory_space<hbm>>
      tpu.wait_dma2 semaphore(%run_scoped3A : memref<!tpu.dma_semaphore, #tpu.memory_space<semaphore_mem>>) src(%dma_wait3A_20 : memref<64xi32, #tpu.memory_space<hbm>>) dst(%arg6 : memref<64xi32, #tpu.memory_space<vmem>>)
      tpu.yield
    }) : () -> ()
    %dma_start3A = arith.constant 0 : i32
    %dma_start3A_5 = arith.constant 0 : i32
    %dma_start3A_6 = tpu.memref_slice %arg3[%dma_start3A, %dma_start3A_5] : memref<2048x768xf32, #tpu.memory_space<hbm>> -> memref<2048x768xf32, #tpu.memory_space<hbm>>
    tpu.enqueue_indirect_dma source(%dma_start3A_6 : memref<2048x768xf32, #tpu.memory_space<hbm>>) target(%arg7 : memref<64x768xf32, #tpu.memory_space<vmem>>) offsets(%arg5 : memref<64xi32, #tpu.memory_space<vmem>>) semaphore(%arg9 : memref<!tpu.dma_semaphore, #tpu.memory_space<semaphore_mem>>)
    %dma_start3A_7 = arith.constant 0 : i32
    %dma_start3A_8 = arith.constant 0 : i32
    %dma_start3A_9 = tpu.memref_slice %arg3[%dma_start3A_7, %dma_start3A_8] : memref<2048x768xf32, #tpu.memory_space<hbm>> -> memref<2048x768xf32, #tpu.memory_space<hbm>>
    tpu.enqueue_indirect_dma source(%dma_start3A_9 : memref<2048x768xf32, #tpu.memory_space<hbm>>) target(%arg8 : memref<64x768xf32, #tpu.memory_space<vmem>>) offsets(%arg6 : memref<64xi32, #tpu.memory_space<vmem>>) semaphore(%arg10 : memref<!tpu.dma_semaphore, #tpu.memory_space<semaphore_mem>>)
    %dma_wait3A = arith.constant 0 : i32
    %dma_wait3A_10 = arith.constant 0 : i32
    %dma_wait3A_11 = tpu.memref_slice %arg3[%dma_wait3A, %dma_wait3A_10] : memref<2048x768xf32, #tpu.memory_space<hbm>> -> memref<2048x768xf32, #tpu.memory_space<hbm>>
    tpu.wait_indirect_dma semaphore(%arg9 : memref<!tpu.dma_semaphore, #tpu.memory_space<semaphore_mem>>) src(%dma_wait3A_11 : memref<2048x768xf32, #tpu.memory_space<hbm>>) dst(%arg7 : memref<64x768xf32, #tpu.memory_space<vmem>>)
    "tpu.region"() ({
      %run_scoped3A = tpu.sem_alloc : memref<!tpu.dma_semaphore, #tpu.memory_space<semaphore_mem>>
      %dma_start3A_17 = arith.constant 0 : i32
      %dma_start3A_18 = tpu.memref_slice %arg4[%mul3A_2, %dma_start3A_17] : memref<4096x768xf32, #tpu.memory_space<hbm>> -> memref<64x768xf32, #tpu.memory_space<hbm>>
      %dma_start3A_19 = arith.constant 0 : i32
      %dma_start3A_20 = tpu.memref_slice %arg4[%mul3A_2, %dma_start3A_19] : memref<4096x768xf32, #tpu.memory_space<hbm>> -> memref<64x768xf32, #tpu.memory_space<hbm>>
      tpu.enqueue_dma source(%arg7 : memref<64x768xf32, #tpu.memory_space<vmem>>) target(%dma_start3A_20 : memref<64x768xf32, #tpu.memory_space<hbm>>) target_semaphore(%run_scoped3A : memref<!tpu.dma_semaphore, #tpu.memory_space<semaphore_mem>>)
      %dma_wait3A_21 = arith.constant 0 : i32
      %dma_wait3A_22 = tpu.memref_slice %arg4[%mul3A_2, %dma_wait3A_21] : memref<4096x768xf32, #tpu.memory_space<hbm>> -> memref<64x768xf32, #tpu.memory_space<hbm>>
      %dma_wait3A_23 = arith.constant 0 : i32
      %dma_wait3A_24 = tpu.memref_slice %arg4[%mul3A_2, %dma_wait3A_23] : memref<4096x768xf32, #tpu.memory_space<hbm>> -> memref<64x768xf32, #tpu.memory_space<hbm>>
      tpu.wait_dma2 semaphore(%run_scoped3A : memref<!tpu.dma_semaphore, #tpu.memory_space<semaphore_mem>>) src(%arg7 : memref<64x768xf32, #tpu.memory_space<vmem>>) dst(%dma_wait3A_24 : memref<64x768xf32, #tpu.memory_space<hbm>>)
      tpu.yield
    }) : () -> ()
    %dma_wait3A_12 = arith.constant 0 : i32
    %dma_wait3A_13 = arith.constant 0 : i32
    %dma_wait3A_14 = tpu.memref_slice %arg3[%dma_wait3A_12, %dma_wait3A_13] : memref<2048x768xf32, #tpu.memory_space<hbm>> -> memref<2048x768xf32, #tpu.memory_space<hbm>>
    tpu.wait_indirect_dma semaphore(%arg10 : memref<!tpu.dma_semaphore, #tpu.memory_space<semaphore_mem>>) src(%dma_wait3A_14 : memref<2048x768xf32, #tpu.memory_space<hbm>>) dst(%arg8 : memref<64x768xf32, #tpu.memory_space<vmem>>)
    %add3A_15 = arith.constant 64 : i32
    %add3A_16 = arith.addi %mul3A_2, %add3A_15 : i32
    "tpu.region"() ({
      %run_scoped3A = tpu.sem_alloc : memref<!tpu.dma_semaphore, #tpu.memory_space<semaphore_mem>>
      %dma_start3A_17 = arith.constant 0 : i32
      %dma_start3A_18 = tpu.memref_slice %arg4[%add3A_16, %dma_start3A_17] : memref<4096x768xf32, #tpu.memory_space<hbm>> -> memref<64x768xf32, #tpu.memory_space<hbm>>
      %dma_start3A_19 = arith.constant 0 : i32
      %dma_start3A_20 = tpu.memref_slice %arg4[%add3A_16, %dma_start3A_19] : memref<4096x768xf32, #tpu.memory_space<hbm>> -> memref<64x768xf32, #tpu.memory_space<hbm>>
      tpu.enqueue_dma source(%arg8 : memref<64x768xf32, #tpu.memory_space<vmem>>) target(%dma_start3A_20 : memref<64x768xf32, #tpu.memory_space<hbm>>) target_semaphore(%run_scoped3A : memref<!tpu.dma_semaphore, #tpu.memory_space<semaphore_mem>>)
      %dma_wait3A_21 = arith.constant 0 : i32
      %dma_wait3A_22 = tpu.memref_slice %arg4[%add3A_16, %dma_wait3A_21] : memref<4096x768xf32, #tpu.memory_space<hbm>> -> memref<64x768xf32, #tpu.memory_space<hbm>>
      %dma_wait3A_23 = arith.constant 0 : i32
      %dma_wait3A_24 = tpu.memref_slice %arg4[%add3A_16, %dma_wait3A_23] : memref<4096x768xf32, #tpu.memory_space<hbm>> -> memref<64x768xf32, #tpu.memory_space<hbm>>
      tpu.wait_dma2 semaphore(%run_scoped3A : memref<!tpu.dma_semaphore, #tpu.memory_space<semaphore_mem>>) src(%arg8 : memref<64x768xf32, #tpu.memory_space<vmem>>) dst(%dma_wait3A_24 : memref<64x768xf32, #tpu.memory_space<hbm>>)
      tpu.yield
    }) : () -> ()
    return
  }
}

#map = affine_map<(d0, d1) -> (0)>
#map1 = affine_map<(d0, d1) -> (0, 0)>
module attributes {stable_mosaic.version = 14 : i64} {
  func.func @_combine_body(%arg0: i32, %arg1: i32, %arg2: memref<2048xi32, #tpu.memory_space<hbm>>, %arg3: memref<6272x768xf32, #tpu.memory_space<hbm>>, %arg4: memref<2048x768xf32, #tpu.memory_space<hbm>>, %arg5: memref<64xi32, #tpu.memory_space<vmem>>, %arg6: memref<64x768xf32, #tpu.memory_space<vmem>>, %arg7: memref<!tpu.dma_semaphore, #tpu.memory_space<semaphore_mem>>) attributes {dimension_semantics = [#tpu.dimension_semantics<core_parallel>, #tpu.dimension_semantics<subcore_parallel>], iteration_bounds = array<i64: 2, 16>, scalar_prefetch = 0 : i64, scratch_operands = 3 : i64, tpu.core_type = #tpu.core_type<sc_vector_subcore>, window_params = [{transform_indices = #map}, {transform_indices = #map1}, {transform_indices = #map1}]} {
    %mul3A = arith.constant 2 : i32
    %mul3A_0 = arith.muli %arg1, %mul3A : i32
    %add3A = arith.addi %mul3A_0, %arg0 : i32
    %mul3A_1 = arith.constant 64 : i32
    %mul3A_2 = arith.muli %add3A, %mul3A_1 : i32
    "tpu.region"() ({
      %run_scoped3A = tpu.sem_alloc : memref<!tpu.dma_semaphore, #tpu.memory_space<semaphore_mem>>
      %dma_start3A_7 = tpu.memref_slice %arg2[%mul3A_2] : memref<2048xi32, #tpu.memory_space<hbm>> -> memref<64xi32, #tpu.memory_space<hbm>>
      %dma_start3A_8 = tpu.memref_slice %arg2[%mul3A_2] : memref<2048xi32, #tpu.memory_space<hbm>> -> memref<64xi32, #tpu.memory_space<hbm>>
      tpu.enqueue_dma source(%dma_start3A_8 : memref<64xi32, #tpu.memory_space<hbm>>) target(%arg5 : memref<64xi32, #tpu.memory_space<vmem>>) target_semaphore(%run_scoped3A : memref<!tpu.dma_semaphore, #tpu.memory_space<semaphore_mem>>)
      %dma_wait3A_9 = tpu.memref_slice %arg2[%mul3A_2] : memref<2048xi32, #tpu.memory_space<hbm>> -> memref<64xi32, #tpu.memory_space<hbm>>
      %dma_wait3A_10 = tpu.memref_slice %arg2[%mul3A_2] : memref<2048xi32, #tpu.memory_space<hbm>> -> memref<64xi32, #tpu.memory_space<hbm>>
      tpu.wait_dma2 semaphore(%run_scoped3A : memref<!tpu.dma_semaphore, #tpu.memory_space<semaphore_mem>>) src(%dma_wait3A_10 : memref<64xi32, #tpu.memory_space<hbm>>) dst(%arg5 : memref<64xi32, #tpu.memory_space<vmem>>)
      tpu.yield
    }) : () -> ()
    %dma_start3A = arith.constant 0 : i32
    %dma_start3A_3 = arith.constant 0 : i32
    %dma_start3A_4 = tpu.memref_slice %arg3[%dma_start3A, %dma_start3A_3] : memref<6272x768xf32, #tpu.memory_space<hbm>> -> memref<6272x768xf32, #tpu.memory_space<hbm>>
    tpu.enqueue_indirect_dma source(%dma_start3A_4 : memref<6272x768xf32, #tpu.memory_space<hbm>>) target(%arg6 : memref<64x768xf32, #tpu.memory_space<vmem>>) offsets(%arg5 : memref<64xi32, #tpu.memory_space<vmem>>) semaphore(%arg7 : memref<!tpu.dma_semaphore, #tpu.memory_space<semaphore_mem>>)
    %dma_wait3A = arith.constant 0 : i32
    %dma_wait3A_5 = arith.constant 0 : i32
    %dma_wait3A_6 = tpu.memref_slice %arg3[%dma_wait3A, %dma_wait3A_5] : memref<6272x768xf32, #tpu.memory_space<hbm>> -> memref<6272x768xf32, #tpu.memory_space<hbm>>
    tpu.wait_indirect_dma semaphore(%arg7 : memref<!tpu.dma_semaphore, #tpu.memory_space<semaphore_mem>>) src(%dma_wait3A_6 : memref<6272x768xf32, #tpu.memory_space<hbm>>) dst(%arg6 : memref<64x768xf32, #tpu.memory_space<vmem>>)
    "tpu.region"() ({
      %run_scoped3A = tpu.sem_alloc : memref<!tpu.dma_semaphore, #tpu.memory_space<semaphore_mem>>
      %dma_start3A_7 = arith.constant 0 : i32
      %dma_start3A_8 = tpu.memref_slice %arg4[%mul3A_2, %dma_start3A_7] : memref<2048x768xf32, #tpu.memory_space<hbm>> -> memref<64x768xf32, #tpu.memory_space<hbm>>
      %dma_start3A_9 = arith.constant 0 : i32
      %dma_start3A_10 = tpu.memref_slice %arg4[%mul3A_2, %dma_start3A_9] : memref<2048x768xf32, #tpu.memory_space<hbm>> -> memref<64x768xf32, #tpu.memory_space<hbm>>
      tpu.enqueue_dma source(%arg6 : memref<64x768xf32, #tpu.memory_space<vmem>>) target(%dma_start3A_10 : memref<64x768xf32, #tpu.memory_space<hbm>>) target_semaphore(%run_scoped3A : memref<!tpu.dma_semaphore, #tpu.memory_space<semaphore_mem>>)
      %dma_wait3A_11 = arith.constant 0 : i32
      %dma_wait3A_12 = tpu.memref_slice %arg4[%mul3A_2, %dma_wait3A_11] : memref<2048x768xf32, #tpu.memory_space<hbm>> -> memref<64x768xf32, #tpu.memory_space<hbm>>
      %dma_wait3A_13 = arith.constant 0 : i32
      %dma_wait3A_14 = tpu.memref_slice %arg4[%mul3A_2, %dma_wait3A_13] : memref<2048x768xf32, #tpu.memory_space<hbm>> -> memref<64x768xf32, #tpu.memory_space<hbm>>
      tpu.wait_dma2 semaphore(%run_scoped3A : memref<!tpu.dma_semaphore, #tpu.memory_space<semaphore_mem>>) src(%arg6 : memref<64x768xf32, #tpu.memory_space<vmem>>) dst(%dma_wait3A_14 : memref<64x768xf32, #tpu.memory_space<hbm>>)
      tpu.yield
    }) : () -> ()
    return
  }
}

module attributes {stable_mosaic.version = 14 : i64} {
  func.func @_router_body(%arg0: memref<2048x768xf32, #tpu.memory_space<vmem>>, %arg1: memref<128x768xf32, #tpu.memory_space<vmem>>, %arg2: memref<1x128xf32, #tpu.memory_space<vmem>>, %arg3: memref<2048x1xi32, #tpu.memory_space<vmem>>, %arg4: memref<2048x1xf32, #tpu.memory_space<vmem>>, %arg5: memref<64x64xi32, #tpu.memory_space<vmem>>, %arg6: memref<64x64xf32, #tpu.memory_space<vmem>>) attributes {dimension_semantics = [], scalar_prefetch = 0 : i64, scratch_operands = 0 : i64, tpu.core_type = #tpu.core_type<tc>} {
    %get3A = arith.constant 0 : index
    %get3A_0 = arith.constant 0 : index
    %get3A_1 = vector.load %arg0[%get3A, %get3A_0] : memref<2048x768xf32, #tpu.memory_space<vmem>>, vector<2048x768xf32>
    %get3A_2 = arith.constant 0 : index
    %get3A_3 = arith.constant 0 : index
    %get3A_4 = vector.load %arg1[%get3A_2, %get3A_3] : memref<128x768xf32, #tpu.memory_space<vmem>>, vector<128x768xf32>
    %dot_general3A = arith.constant dense<0.000000e+00> : vector<2048x128xf32>
    %dot_general3A_5 = tpu.matmul %get3A_1, %get3A_4, %dot_general3A {dimension_numbers = #tpu.dot_dimension_numbers<[1], [1], [0], [0], [0, 0, 1, 0], [], []>, transpose_lhs_hint = false} : vector<2048x768xf32>, vector<128x768xf32>, vector<2048x128xf32> -> vector<2048x128xf32>
    %iota3A = tpu.iota {dimensions = array<i32: 1>} : vector<2048x128xi32>
    %lt3A = arith.constant 80 : i32
    %lt3A_6 = vector.broadcast %lt3A : i32 to vector<2048x128xi32>
    %lt3A_7 = arith.cmpi slt, %iota3A, %lt3A_6 : vector<2048x128xi32>
    %jit3A = arith.constant -1.000000e+30 : f32
    %broadcast_in_dim3A = vector.broadcast %jit3A : f32 to vector<2048x128xf32>
    %select_n3A = arith.select %lt3A_7, %dot_general3A_5, %broadcast_in_dim3A : vector<2048x128xi1>, vector<2048x128xf32>
    %reduce_max3A = arith.constant dense<0xFF800000> : vector<2048xf32>
    %reduce_max3A_8 = vector.multi_reduction <maximumf>, %select_n3A, %reduce_max3A [1] : vector<2048x128xf32> to vector<2048xf32>
    %broadcast_in_dim3A_9 = vector.shape_cast %reduce_max3A_8 : vector<2048xf32> to vector<2048x1xf32>
    %sub3A = vector.broadcast %broadcast_in_dim3A_9 : vector<2048x1xf32> to vector<2048x128xf32>
    %sub3A_10 = arith.subf %select_n3A, %sub3A : vector<2048x128xf32>
    %exp3A = math.exp %sub3A_10 : vector<2048x128xf32>
    %jit3A_11 = arith.constant 0.000000e+00 : f32
    %broadcast_in_dim3A_12 = vector.broadcast %jit3A_11 : f32 to vector<2048x128xf32>
    %select_n3A_13 = arith.select %lt3A_7, %exp3A, %broadcast_in_dim3A_12 : vector<2048x128xi1>, vector<2048x128xf32>
    %reduce_sum3A = arith.constant dense<0.000000e+00> : vector<2048xf32>
    %reduce_sum3A_14 = vector.multi_reduction <add>, %select_n3A_13, %reduce_sum3A [1] : vector<2048x128xf32> to vector<2048xf32>
    %broadcast_in_dim3A_15 = vector.shape_cast %reduce_sum3A_14 : vector<2048xf32> to vector<2048x1xf32>
    %div3A = vector.broadcast %broadcast_in_dim3A_15 : vector<2048x1xf32> to vector<2048x128xf32>
    %div3A_16 = arith.divf %select_n3A_13, %div3A : vector<2048x128xf32>
    %get3A_17 = arith.constant 0 : index
    %get3A_18 = arith.constant 0 : index
    %get3A_19 = vector.load %arg2[%get3A_17, %get3A_18] : memref<1x128xf32, #tpu.memory_space<vmem>>, vector<1x128xf32>
    %add3A = vector.broadcast %get3A_19 : vector<1x128xf32> to vector<2048x128xf32>
    %add3A_20 = arith.addf %div3A_16, %add3A : vector<2048x128xf32>
    %jit3A_21 = arith.constant -1.000000e+30 : f32
    %broadcast_in_dim3A_22 = vector.broadcast %jit3A_21 : f32 to vector<2048x128xf32>
    %select_n3A_23 = arith.select %lt3A_7, %add3A_20, %broadcast_in_dim3A_22 : vector<2048x128xi1>, vector<2048x128xf32>
    %reduce_max3A_24 = arith.constant dense<0xFF800000> : vector<2048xf32>
    %reduce_max3A_25 = vector.multi_reduction <maximumf>, %select_n3A_23, %reduce_max3A_24 [1] : vector<2048x128xf32> to vector<2048xf32>
    %broadcast_in_dim3A_26 = vector.shape_cast %reduce_max3A_25 : vector<2048xf32> to vector<2048x1xf32>
    %ge3A = vector.broadcast %broadcast_in_dim3A_26 : vector<2048x1xf32> to vector<2048x128xf32>
    %ge3A_27 = arith.cmpf oge, %select_n3A_23, %ge3A : vector<2048x128xf32>
    %jit3A_28 = arith.constant 128 : i32
    %broadcast_in_dim3A_29 = vector.broadcast %jit3A_28 : i32 to vector<2048x128xi32>
    %select_n3A_30 = arith.select %ge3A_27, %iota3A, %broadcast_in_dim3A_29 : vector<2048x128xi1>, vector<2048x128xi32>
    %reduce_min3A = arith.constant dense<2147483647> : vector<2048xi32>
    %reduce_min3A_31 = vector.multi_reduction <minsi>, %select_n3A_30, %reduce_min3A [1] : vector<2048x128xi32> to vector<2048xi32>
    %broadcast_in_dim3A_32 = vector.shape_cast %reduce_min3A_31 : vector<2048xi32> to vector<2048x1xi32>
    %eq3A = vector.broadcast %broadcast_in_dim3A_32 : vector<2048x1xi32> to vector<2048x128xi32>
    %eq3A_33 = arith.cmpi eq, %iota3A, %eq3A : vector<2048x128xi32>
    %jit3A_34 = arith.constant 0.000000e+00 : f32
    %broadcast_in_dim3A_35 = vector.broadcast %jit3A_34 : f32 to vector<2048x128xf32>
    %select_n3A_36 = arith.select %eq3A_33, %div3A_16, %broadcast_in_dim3A_35 : vector<2048x128xi1>, vector<2048x128xf32>
    %reduce_sum3A_37 = arith.constant dense<0.000000e+00> : vector<2048xf32>
    %reduce_sum3A_38 = vector.multi_reduction <add>, %select_n3A_36, %reduce_sum3A_37 [1] : vector<2048x128xf32> to vector<2048xf32>
    %broadcast_in_dim3A_39 = vector.shape_cast %reduce_sum3A_38 : vector<2048xf32> to vector<2048x1xf32>
    %ge3A_40 = arith.constant 64 : i32
    %ge3A_41 = vector.broadcast %ge3A_40 : i32 to vector<2048x1xi32>
    %ge3A_42 = arith.cmpi sge, %broadcast_in_dim3A_32, %ge3A_41 : vector<2048x1xi32>
    %lt3A_43 = arith.constant 64 : i32
    %lt3A_44 = vector.broadcast %lt3A_43 : i32 to vector<2048x1xi32>
    %lt3A_45 = arith.cmpi slt, %broadcast_in_dim3A_32, %lt3A_44 : vector<2048x1xi32>
    %eq3A_46 = vector.broadcast %broadcast_in_dim3A_32 : vector<2048x1xi32> to vector<2048x128xi32>
    %eq3A_47 = arith.cmpi eq, %iota3A, %eq3A_46 : vector<2048x128xi32>
    %and3A = vector.broadcast %lt3A_45 : vector<2048x1xi1> to vector<2048x128xi1>
    %and3A_48 = arith.andi %eq3A_47, %and3A : vector<2048x128xi1>
    %jit3A_49 = arith.constant 1.000000e+00 : f32
    %jit3A_50 = arith.constant 0.000000e+00 : f32
    %broadcast_in_dim3A_51 = vector.broadcast %jit3A_49 : f32 to vector<2048x128xf32>
    %broadcast_in_dim3A_52 = vector.broadcast %jit3A_50 : f32 to vector<2048x128xf32>
    %select_n3A_53 = arith.select %and3A_48, %broadcast_in_dim3A_51, %broadcast_in_dim3A_52 : vector<2048x128xi1>, vector<2048x128xf32>
    %broadcast_in_dim3A_54 = arith.constant 0.000000e+00 : f32
    %broadcast_in_dim3A_55 = vector.broadcast %broadcast_in_dim3A_54 : f32 to vector<1x128xf32>
    %iota3A_56 = tpu.iota {dimensions = array<i32: 0>} : vector<256x256xi32>
    %iota3A_57 = tpu.iota {dimensions = array<i32: 1>} : vector<256x256xi32>
    %gt3A = arith.cmpi sgt, %iota3A_56, %iota3A_57 : vector<256x256xi32>
    %jit3A_58 = arith.constant 1.000000e+00 : f32
    %jit3A_59 = arith.constant 0.000000e+00 : f32
    %broadcast_in_dim3A_60 = vector.broadcast %jit3A_58 : f32 to vector<256x256xf32>
    %broadcast_in_dim3A_61 = vector.broadcast %jit3A_59 : f32 to vector<256x256xf32>
    %select_n3A_62 = arith.select %gt3A, %broadcast_in_dim3A_60, %broadcast_in_dim3A_61 : vector<256x256xi1>, vector<256x256xf32>
    %slice3A = vector.extract_strided_slice %select_n3A_53 {offsets = [0, 0], sizes = [256, 128], strides = [1, 1]} : vector<2048x128xf32> to vector<256x128xf32>
    %dot_general3A_63 = arith.constant dense<0.000000e+00> : vector<256x128xf32>
    %dot_general3A_64 = tpu.matmul %select_n3A_62, %slice3A, %dot_general3A_63 {dimension_numbers = #tpu.dot_dimension_numbers<[1], [0], [0], [1], [0, 0, 1, 1], [], []>, transpose_lhs_hint = false} : vector<256x256xf32>, vector<256x128xf32>, vector<256x128xf32> -> vector<256x128xf32>
    %add3A_65 = vector.broadcast %broadcast_in_dim3A_55 : vector<1x128xf32> to vector<256x128xf32>
    %add3A_66 = arith.addf %dot_general3A_64, %add3A_65 : vector<256x128xf32>
    %reduce_sum3A_67 = arith.constant dense<0.000000e+00> : vector<128xf32>
    %reduce_sum3A_68 = vector.multi_reduction <add>, %slice3A, %reduce_sum3A_67 [0] : vector<256x128xf32> to vector<128xf32>
    %broadcast_in_dim3A_69 = vector.shape_cast %reduce_sum3A_68 : vector<128xf32> to vector<1x128xf32>
    %add3A_70 = arith.addf %broadcast_in_dim3A_55, %broadcast_in_dim3A_69 : vector<1x128xf32>
    %slice3A_71 = vector.extract_strided_slice %select_n3A_53 {offsets = [256, 0], sizes = [256, 128], strides = [1, 1]} : vector<2048x128xf32> to vector<256x128xf32>
    %dot_general3A_72 = arith.constant dense<0.000000e+00> : vector<256x128xf32>
    %dot_general3A_73 = tpu.matmul %select_n3A_62, %slice3A_71, %dot_general3A_72 {dimension_numbers = #tpu.dot_dimension_numbers<[1], [0], [0], [1], [0, 0, 1, 1], [], []>, transpose_lhs_hint = false} : vector<256x256xf32>, vector<256x128xf32>, vector<256x128xf32> -> vector<256x128xf32>
    %add3A_74 = vector.broadcast %add3A_70 : vector<1x128xf32> to vector<256x128xf32>
    %add3A_75 = arith.addf %dot_general3A_73, %add3A_74 : vector<256x128xf32>
    %reduce_sum3A_76 = arith.constant dense<0.000000e+00> : vector<128xf32>
    %reduce_sum3A_77 = vector.multi_reduction <add>, %slice3A_71, %reduce_sum3A_76 [0] : vector<256x128xf32> to vector<128xf32>
    %broadcast_in_dim3A_78 = vector.shape_cast %reduce_sum3A_77 : vector<128xf32> to vector<1x128xf32>
    %add3A_79 = arith.addf %add3A_70, %broadcast_in_dim3A_78 : vector<1x128xf32>
    %slice3A_80 = vector.extract_strided_slice %select_n3A_53 {offsets = [512, 0], sizes = [256, 128], strides = [1, 1]} : vector<2048x128xf32> to vector<256x128xf32>
    %dot_general3A_81 = arith.constant dense<0.000000e+00> : vector<256x128xf32>
    %dot_general3A_82 = tpu.matmul %select_n3A_62, %slice3A_80, %dot_general3A_81 {dimension_numbers = #tpu.dot_dimension_numbers<[1], [0], [0], [1], [0, 0, 1, 1], [], []>, transpose_lhs_hint = false} : vector<256x256xf32>, vector<256x128xf32>, vector<256x128xf32> -> vector<256x128xf32>
    %add3A_83 = vector.broadcast %add3A_79 : vector<1x128xf32> to vector<256x128xf32>
    %add3A_84 = arith.addf %dot_general3A_82, %add3A_83 : vector<256x128xf32>
    %reduce_sum3A_85 = arith.constant dense<0.000000e+00> : vector<128xf32>
    %reduce_sum3A_86 = vector.multi_reduction <add>, %slice3A_80, %reduce_sum3A_85 [0] : vector<256x128xf32> to vector<128xf32>
    %broadcast_in_dim3A_87 = vector.shape_cast %reduce_sum3A_86 : vector<128xf32> to vector<1x128xf32>
    %add3A_88 = arith.addf %add3A_79, %broadcast_in_dim3A_87 : vector<1x128xf32>
    %slice3A_89 = vector.extract_strided_slice %select_n3A_53 {offsets = [768, 0], sizes = [256, 128], strides = [1, 1]} : vector<2048x128xf32> to vector<256x128xf32>
    %dot_general3A_90 = arith.constant dense<0.000000e+00> : vector<256x128xf32>
    %dot_general3A_91 = tpu.matmul %select_n3A_62, %slice3A_89, %dot_general3A_90 {dimension_numbers = #tpu.dot_dimension_numbers<[1], [0], [0], [1], [0, 0, 1, 1], [], []>, transpose_lhs_hint = false} : vector<256x256xf32>, vector<256x128xf32>, vector<256x128xf32> -> vector<256x128xf32>
    %add3A_92 = vector.broadcast %add3A_88 : vector<1x128xf32> to vector<256x128xf32>
    %add3A_93 = arith.addf %dot_general3A_91, %add3A_92 : vector<256x128xf32>
    %reduce_sum3A_94 = arith.constant dense<0.000000e+00> : vector<128xf32>
    %reduce_sum3A_95 = vector.multi_reduction <add>, %slice3A_89, %reduce_sum3A_94 [0] : vector<256x128xf32> to vector<128xf32>
    %broadcast_in_dim3A_96 = vector.shape_cast %reduce_sum3A_95 : vector<128xf32> to vector<1x128xf32>
    %add3A_97 = arith.addf %add3A_88, %broadcast_in_dim3A_96 : vector<1x128xf32>
    %slice3A_98 = vector.extract_strided_slice %select_n3A_53 {offsets = [1024, 0], sizes = [256, 128], strides = [1, 1]} : vector<2048x128xf32> to vector<256x128xf32>
    %dot_general3A_99 = arith.constant dense<0.000000e+00> : vector<256x128xf32>
    %dot_general3A_100 = tpu.matmul %select_n3A_62, %slice3A_98, %dot_general3A_99 {dimension_numbers = #tpu.dot_dimension_numbers<[1], [0], [0], [1], [0, 0, 1, 1], [], []>, transpose_lhs_hint = false} : vector<256x256xf32>, vector<256x128xf32>, vector<256x128xf32> -> vector<256x128xf32>
    %add3A_101 = vector.broadcast %add3A_97 : vector<1x128xf32> to vector<256x128xf32>
    %add3A_102 = arith.addf %dot_general3A_100, %add3A_101 : vector<256x128xf32>
    %reduce_sum3A_103 = arith.constant dense<0.000000e+00> : vector<128xf32>
    %reduce_sum3A_104 = vector.multi_reduction <add>, %slice3A_98, %reduce_sum3A_103 [0] : vector<256x128xf32> to vector<128xf32>
    %broadcast_in_dim3A_105 = vector.shape_cast %reduce_sum3A_104 : vector<128xf32> to vector<1x128xf32>
    %add3A_106 = arith.addf %add3A_97, %broadcast_in_dim3A_105 : vector<1x128xf32>
    %slice3A_107 = vector.extract_strided_slice %select_n3A_53 {offsets = [1280, 0], sizes = [256, 128], strides = [1, 1]} : vector<2048x128xf32> to vector<256x128xf32>
    %dot_general3A_108 = arith.constant dense<0.000000e+00> : vector<256x128xf32>
    %dot_general3A_109 = tpu.matmul %select_n3A_62, %slice3A_107, %dot_general3A_108 {dimension_numbers = #tpu.dot_dimension_numbers<[1], [0], [0], [1], [0, 0, 1, 1], [], []>, transpose_lhs_hint = false} : vector<256x256xf32>, vector<256x128xf32>, vector<256x128xf32> -> vector<256x128xf32>
    %add3A_110 = vector.broadcast %add3A_106 : vector<1x128xf32> to vector<256x128xf32>
    %add3A_111 = arith.addf %dot_general3A_109, %add3A_110 : vector<256x128xf32>
    %reduce_sum3A_112 = arith.constant dense<0.000000e+00> : vector<128xf32>
    %reduce_sum3A_113 = vector.multi_reduction <add>, %slice3A_107, %reduce_sum3A_112 [0] : vector<256x128xf32> to vector<128xf32>
    %broadcast_in_dim3A_114 = vector.shape_cast %reduce_sum3A_113 : vector<128xf32> to vector<1x128xf32>
    %add3A_115 = arith.addf %add3A_106, %broadcast_in_dim3A_114 : vector<1x128xf32>
    %slice3A_116 = vector.extract_strided_slice %select_n3A_53 {offsets = [1536, 0], sizes = [256, 128], strides = [1, 1]} : vector<2048x128xf32> to vector<256x128xf32>
    %dot_general3A_117 = arith.constant dense<0.000000e+00> : vector<256x128xf32>
    %dot_general3A_118 = tpu.matmul %select_n3A_62, %slice3A_116, %dot_general3A_117 {dimension_numbers = #tpu.dot_dimension_numbers<[1], [0], [0], [1], [0, 0, 1, 1], [], []>, transpose_lhs_hint = false} : vector<256x256xf32>, vector<256x128xf32>, vector<256x128xf32> -> vector<256x128xf32>
    %add3A_119 = vector.broadcast %add3A_115 : vector<1x128xf32> to vector<256x128xf32>
    %add3A_120 = arith.addf %dot_general3A_118, %add3A_119 : vector<256x128xf32>
    %reduce_sum3A_121 = arith.constant dense<0.000000e+00> : vector<128xf32>
    %reduce_sum3A_122 = vector.multi_reduction <add>, %slice3A_116, %reduce_sum3A_121 [0] : vector<256x128xf32> to vector<128xf32>
    %broadcast_in_dim3A_123 = vector.shape_cast %reduce_sum3A_122 : vector<128xf32> to vector<1x128xf32>
    %add3A_124 = arith.addf %add3A_115, %broadcast_in_dim3A_123 : vector<1x128xf32>
    %slice3A_125 = vector.extract_strided_slice %select_n3A_53 {offsets = [1792, 0], sizes = [256, 128], strides = [1, 1]} : vector<2048x128xf32> to vector<256x128xf32>
    %dot_general3A_126 = arith.constant dense<0.000000e+00> : vector<256x128xf32>
    %dot_general3A_127 = tpu.matmul %select_n3A_62, %slice3A_125, %dot_general3A_126 {dimension_numbers = #tpu.dot_dimension_numbers<[1], [0], [0], [1], [0, 0, 1, 1], [], []>, transpose_lhs_hint = false} : vector<256x256xf32>, vector<256x128xf32>, vector<256x128xf32> -> vector<256x128xf32>
    %add3A_128 = vector.broadcast %add3A_124 : vector<1x128xf32> to vector<256x128xf32>
    %add3A_129 = arith.addf %dot_general3A_127, %add3A_128 : vector<256x128xf32>
    %concatenate3A = tpu.concatenate %add3A_66, %add3A_75, %add3A_84, %add3A_93, %add3A_102, %add3A_111, %add3A_120, %add3A_129 in 0 : vector<256x128xf32>, vector<256x128xf32>, vector<256x128xf32>, vector<256x128xf32>, vector<256x128xf32>, vector<256x128xf32>, vector<256x128xf32>, vector<256x128xf32> -> vector<2048x128xf32>
    %mul3A = arith.mulf %concatenate3A, %select_n3A_53 : vector<2048x128xf32>
    %reduce_sum3A_130 = arith.constant dense<0.000000e+00> : vector<2048xf32>
    %reduce_sum3A_131 = vector.multi_reduction <add>, %mul3A, %reduce_sum3A_130 [1] : vector<2048x128xf32> to vector<2048xf32>
    %broadcast_in_dim3A_132 = vector.shape_cast %reduce_sum3A_131 : vector<2048xf32> to vector<2048x1xf32>
    %convert_element_type3A = arith.fptosi %broadcast_in_dim3A_132 : vector<2048x1xf32> to vector<2048x1xi32>
    %lt3A_133 = arith.constant 64 : i32
    %lt3A_134 = vector.broadcast %lt3A_133 : i32 to vector<2048x1xi32>
    %lt3A_135 = arith.cmpi slt, %convert_element_type3A, %lt3A_134 : vector<2048x1xi32>
    %and3A_136 = arith.andi %lt3A_45, %lt3A_135 : vector<2048x1xi1>
    %mul3A_137 = arith.constant 64 : i32
    %mul3A_138 = vector.broadcast %mul3A_137 : i32 to vector<2048x1xi32>
    %mul3A_139 = arith.muli %broadcast_in_dim3A_32, %mul3A_138 : vector<2048x1xi32>
    %add3A_140 = arith.addi %mul3A_139, %convert_element_type3A : vector<2048x1xi32>
    %iota3A_141 = tpu.iota {dimensions = array<i32: 0>} : vector<2048x1xi32>
    %add3A_142 = arith.constant 4224 : i32
    %add3A_143 = vector.broadcast %add3A_142 : i32 to vector<2048x1xi32>
    %add3A_144 = arith.addi %add3A_143, %iota3A_141 : vector<2048x1xi32>
    %and3A_145 = arith.constant 127 : i32
    %and3A_146 = vector.broadcast %and3A_145 : i32 to vector<2048x1xi32>
    %and3A_147 = arith.andi %iota3A_141, %and3A_146 : vector<2048x1xi32>
    %add3A_148 = arith.constant 4096 : i32
    %add3A_149 = vector.broadcast %add3A_148 : i32 to vector<2048x1xi32>
    %add3A_150 = arith.addi %add3A_149, %and3A_147 : vector<2048x1xi32>
    %select_n3A_151 = arith.select %ge3A_42, %add3A_144, %add3A_150 : vector<2048x1xi1>, vector<2048x1xi32>
    %select_n3A_152 = arith.select %and3A_136, %add3A_140, %select_n3A_151 : vector<2048x1xi1>, vector<2048x1xi32>
    %swap3A = arith.constant 0 : index
    %swap3A_153 = arith.constant 0 : index
    %swap3A_154 = vector.load %arg3[%swap3A, %swap3A_153] : memref<2048x1xi32, #tpu.memory_space<vmem>>, vector<2048x1xi32>
    tpu.vector_store %arg3[%swap3A, %swap3A_153], %select_n3A_152 {strides = array<i32>} : memref<2048x1xi32, #tpu.memory_space<vmem>>, vector<2048x1xi32>,
    %jit3A_155 = arith.constant 0.000000e+00 : f32
    %broadcast_in_dim3A_156 = vector.broadcast %jit3A_155 : f32 to vector<2048x1xf32>
    %select_n3A_157 = arith.select %ge3A_42, %broadcast_in_dim3A_39, %broadcast_in_dim3A_156 : vector<2048x1xi1>, vector<2048x1xf32>
    %swap3A_158 = arith.constant 0 : index
    %swap3A_159 = arith.constant 0 : index
    %swap3A_160 = vector.load %arg4[%swap3A_158, %swap3A_159] : memref<2048x1xf32, #tpu.memory_space<vmem>>, vector<2048x1xf32>
    tpu.vector_store %arg4[%swap3A_158, %swap3A_159], %select_n3A_157 {strides = array<i32>} : memref<2048x1xf32, #tpu.memory_space<vmem>>, vector<2048x1xf32>,
    %convert_element_type3A_161 = arith.sitofp %iota3A_141 : vector<2048x1xi32> to vector<2048x1xf32>
    %iota3A_162 = tpu.iota {dimensions = array<i32: 1>} : vector<2048x64xi32>
    %eq3A_163 = vector.broadcast %convert_element_type3A : vector<2048x1xi32> to vector<2048x64xi32>
    %eq3A_164 = arith.cmpi eq, %iota3A_162, %eq3A_163 : vector<2048x64xi32>
    %and3A_165 = vector.broadcast %and3A_136 : vector<2048x1xi1> to vector<2048x64xi1>
    %and3A_166 = arith.andi %eq3A_164, %and3A_165 : vector<2048x64xi1>
    %jit3A_167 = arith.constant 1.000000e+00 : f32
    %jit3A_168 = arith.constant 0.000000e+00 : f32
    %broadcast_in_dim3A_169 = vector.broadcast %jit3A_167 : f32 to vector<2048x64xf32>
    %broadcast_in_dim3A_170 = vector.broadcast %jit3A_168 : f32 to vector<2048x64xf32>
    %select_n3A_171 = arith.select %and3A_166, %broadcast_in_dim3A_169, %broadcast_in_dim3A_170 : vector<2048x64xi1>, vector<2048x64xf32>
    %mul3A_172 = vector.broadcast %convert_element_type3A_161 : vector<2048x1xf32> to vector<2048x64xf32>
    %mul3A_173 = arith.mulf %select_n3A_171, %mul3A_172 : vector<2048x64xf32>
    %mul3A_174 = vector.broadcast %broadcast_in_dim3A_39 : vector<2048x1xf32> to vector<2048x64xf32>
    %mul3A_175 = arith.mulf %select_n3A_171, %mul3A_174 : vector<2048x64xf32>
    %concatenate3A_176 = tpu.concatenate %mul3A_173, %mul3A_175, %select_n3A_171 in 1 : vector<2048x64xf32>, vector<2048x64xf32>, vector<2048x64xf32> -> vector<2048x192xf32>
    %dot_general3A_177 = arith.constant dense<0.000000e+00> : vector<128x192xf32>
    %dot_general3A_178 = tpu.matmul %select_n3A_53, %concatenate3A_176, %dot_general3A_177 {dimension_numbers = #tpu.dot_dimension_numbers<[0], [0], [1], [1], [0, 1, 1, 1], [], []>, precision = #tpu.contract_precision<fp32>, transpose_lhs_hint = false} : vector<2048x128xf32>, vector<2048x192xf32>, vector<128x192xf32> -> vector<128x192xf32>
    %slice3A_179 = vector.extract_strided_slice %dot_general3A_178 {offsets = [0, 0], sizes = [64, 64], strides = [1, 1]} : vector<128x192xf32> to vector<64x64xf32>
    %slice3A_180 = vector.extract_strided_slice %dot_general3A_178 {offsets = [0, 64], sizes = [64, 64], strides = [1, 1]} : vector<128x192xf32> to vector<64x64xf32>
    %slice3A_181 = vector.extract_strided_slice %dot_general3A_178 {offsets = [0, 128], sizes = [64, 64], strides = [1, 1]} : vector<128x192xf32> to vector<64x64xf32>
    %iota3A_182 = tpu.iota {dimensions = array<i32: 0>} : vector<64x64xi32>
    %mul3A_183 = arith.constant 64 : i32
    %mul3A_184 = vector.broadcast %mul3A_183 : i32 to vector<64x64xi32>
    %mul3A_185 = arith.muli %iota3A_182, %mul3A_184 : vector<64x64xi32>
    %iota3A_186 = tpu.iota {dimensions = array<i32: 1>} : vector<64x64xi32>
    %add3A_187 = arith.addi %mul3A_185, %iota3A_186 : vector<64x64xi32>
    %and3A_188 = arith.constant 2047 : i32
    %and3A_189 = vector.broadcast %and3A_188 : i32 to vector<64x64xi32>
    %and3A_190 = arith.andi %add3A_187, %and3A_189 : vector<64x64xi32>
    %convert_element_type3A_191 = arith.sitofp %and3A_190 : vector<64x64xi32> to vector<64x64xf32>
    %gt3A_192 = arith.constant 5.000000e-01 : f32
    %gt3A_193 = vector.broadcast %gt3A_192 : f32 to vector<64x64xf32>
    %gt3A_194 = arith.cmpf ogt, %slice3A_181, %gt3A_193 : vector<64x64xf32>
    %select_n3A_195 = arith.select %gt3A_194, %slice3A_179, %convert_element_type3A_191 : vector<64x64xi1>, vector<64x64xf32>
    %round3A = math.roundeven %select_n3A_195 : vector<64x64xf32>
    %convert_element_type3A_196 = arith.fptosi %round3A : vector<64x64xf32> to vector<64x64xi32>
    %swap3A_197 = arith.constant 0 : index
    %swap3A_198 = arith.constant 0 : index
    %swap3A_199 = vector.load %arg5[%swap3A_197, %swap3A_198] : memref<64x64xi32, #tpu.memory_space<vmem>>, vector<64x64xi32>
    tpu.vector_store %arg5[%swap3A_197, %swap3A_198], %convert_element_type3A_196 {strides = array<i32>} : memref<64x64xi32, #tpu.memory_space<vmem>>, vector<64x64xi32>,
    %swap3A_200 = arith.constant 0 : index
    %swap3A_201 = arith.constant 0 : index
    %swap3A_202 = vector.load %arg6[%swap3A_200, %swap3A_201] : memref<64x64xf32, #tpu.memory_space<vmem>>, vector<64x64xf32>
    tpu.vector_store %arg6[%swap3A_200, %swap3A_201], %slice3A_180 {strides = array<i32>} : memref<64x64xf32, #tpu.memory_space<vmem>>, vector<64x64xf32>,
    return
  }
}

module attributes {stable_mosaic.version = 14 : i64} {
  func.func @_mlp_body(%arg0: i32, %arg1: memref<128x768xf32, #tpu.memory_space<vmem>>, %arg2: memref<4096x1xf32, #tpu.memory_space<vmem>>, %arg3: memref<2x768x1536xf32, #tpu.memory_space<vmem>>, %arg4: memref<2x768x1536xf32, #tpu.memory_space<vmem>>, %arg5: memref<2x1536x768xf32, #tpu.memory_space<vmem>>, %arg6: memref<128x768xf32, #tpu.memory_space<vmem>>, %arg7: memref<2048x1xf32, #tpu.memory_space<vmem>>, %arg8: memref<128x768xf32, #tpu.memory_space<vmem>>) attributes {dimension_semantics = [#tpu.dimension_semantics<arbitrary>], iteration_bounds = array<i64: 49>, scalar_prefetch = 0 : i64, scratch_operands = 0 : i64, tpu.core_type = #tpu.core_type<tc>, window_params = [{transform_indices = @transform_0, window_bounds = array<i64: 128, 768>}, {pipeline_mode = #tpu.pipeline_mode<synchronous>, transform_indices = @transform_1, window_bounds = array<i64: 4096, 1>}, {transform_indices = @transform_2, window_bounds = array<i64: 2, 768, 1536>}, {transform_indices = @transform_3, window_bounds = array<i64: 2, 768, 1536>}, {transform_indices = @transform_4, window_bounds = array<i64: 2, 1536, 768>}, {transform_indices = @transform_5, window_bounds = array<i64: 128, 768>}, {pipeline_mode = #tpu.pipeline_mode<synchronous>, transform_indices = @transform_6, window_bounds = array<i64: 2048, 1>}, {transform_indices = @transform_7, window_bounds = array<i64: 128, 768>}]} {
    %lt3A = arith.constant 32 : i32
    %lt3A_0 = arith.cmpi slt, %arg0, %lt3A : i32
    %convert_element_type3A = arith.extui %lt3A_0 : i1 to i32
    %cond3A = arith.constant 0 : i32
    %cond3A_1 = arith.cmpi ne, %convert_element_type3A, %cond3A : i32
    scf.if %cond3A_1 {
      %get3A = arith.constant 0 : index
      %get3A_10 = arith.constant 0 : index
      %get3A_11 = vector.load %arg1[%get3A, %get3A_10] : memref<128x768xf32, #tpu.memory_space<vmem>>, vector<64x768xf32>
      %convert_element_type3A_12 = arith.truncf %get3A_11 : vector<64x768xf32> to vector<64x768xbf16>
      %get3A_13 = arith.constant 0 : index
      %get3A_14 = arith.constant 0 : index
      %get3A_15 = arith.constant 0 : index
      %get3A_16 = vector.load %arg3[%get3A_13, %get3A_14, %get3A_15] : memref<2x768x1536xf32, #tpu.memory_space<vmem>>, vector<1x768x1536xf32>
      %get3A_17 = vector.shape_cast %get3A_16 : vector<1x768x1536xf32> to vector<768x1536xf32>
      %convert_element_type3A_18 = arith.truncf %get3A_17 : vector<768x1536xf32> to vector<768x1536xbf16>
      %dot_general3A = arith.constant dense<0.000000e+00> : vector<64x1536xf32>
      %dot_general3A_19 = tpu.matmul %convert_element_type3A_12, %convert_element_type3A_18, %dot_general3A {dimension_numbers = #tpu.dot_dimension_numbers<[1], [0], [0], [1], [0, 0, 1, 1], [], []>, transpose_lhs_hint = false} : vector<64x768xbf16>, vector<768x1536xbf16>, vector<64x1536xf32> -> vector<64x1536xf32>
      %get3A_20 = arith.constant 0 : index
      %get3A_21 = arith.constant 0 : index
      %get3A_22 = arith.constant 0 : index
      %get3A_23 = vector.load %arg4[%get3A_20, %get3A_21, %get3A_22] : memref<2x768x1536xf32, #tpu.memory_space<vmem>>, vector<1x768x1536xf32>
      %get3A_24 = vector.shape_cast %get3A_23 : vector<1x768x1536xf32> to vector<768x1536xf32>
      %convert_element_type3A_25 = arith.truncf %get3A_24 : vector<768x1536xf32> to vector<768x1536xbf16>
      %dot_general3A_26 = arith.constant dense<0.000000e+00> : vector<64x1536xf32>
      %dot_general3A_27 = tpu.matmul %convert_element_type3A_12, %convert_element_type3A_25, %dot_general3A_26 {dimension_numbers = #tpu.dot_dimension_numbers<[1], [0], [0], [1], [0, 0, 1, 1], [], []>, transpose_lhs_hint = false} : vector<64x768xbf16>, vector<768x1536xbf16>, vector<64x1536xf32> -> vector<64x1536xf32>
      %logistic3A = arith.negf %dot_general3A_19 : vector<64x1536xf32>
      %logistic3A_28 = math.exp %logistic3A : vector<64x1536xf32>
      %logistic3A_29 = arith.constant 1.000000e+00 : f32
      %logistic3A_30 = vector.broadcast %logistic3A_29 : f32 to vector<64x1536xf32>
      %logistic3A_31 = arith.addf %logistic3A_30, %logistic3A_28 : vector<64x1536xf32>
      %logistic3A_32 = arith.divf %logistic3A_30, %logistic3A_31 : vector<64x1536xf32>
      %mul3A = arith.mulf %dot_general3A_19, %logistic3A_32 : vector<64x1536xf32>
      %mul3A_33 = arith.mulf %mul3A, %dot_general3A_27 : vector<64x1536xf32>
      %convert_element_type3A_34 = arith.truncf %mul3A_33 : vector<64x1536xf32> to vector<64x1536xbf16>
      %get3A_35 = arith.constant 0 : index
      %get3A_36 = arith.constant 0 : index
      %get3A_37 = arith.constant 0 : index
      %get3A_38 = vector.load %arg5[%get3A_35, %get3A_36, %get3A_37] : memref<2x1536x768xf32, #tpu.memory_space<vmem>>, vector<1x1536x768xf32>
      %get3A_39 = vector.shape_cast %get3A_38 : vector<1x1536x768xf32> to vector<1536x768xf32>
      %convert_element_type3A_40 = arith.truncf %get3A_39 : vector<1536x768xf32> to vector<1536x768xbf16>
      %dot_general3A_41 = arith.constant dense<0.000000e+00> : vector<64x768xf32>
      %dot_general3A_42 = tpu.matmul %convert_element_type3A_34, %convert_element_type3A_40, %dot_general3A_41 {dimension_numbers = #tpu.dot_dimension_numbers<[1], [0], [0], [1], [0, 0, 1, 1], [], []>, transpose_lhs_hint = false} : vector<64x1536xbf16>, vector<1536x768xbf16>, vector<64x768xf32> -> vector<64x768xf32>
      %mul3A_43 = arith.constant 128 : i32
      %mul3A_44 = arith.muli %arg0, %mul3A_43 : i32
      %add3A = arith.constant 0 : i32
      %add3A_45 = arith.addi %mul3A_44, %add3A : i32
      %get3A_46 = arith.index_cast %add3A_45 : i32 to index
      %get3A_47 = arith.constant 0 : index
      %get3A_48 = vector.load %arg2[%get3A_46, %get3A_47] : memref<4096x1xf32, #tpu.memory_space<vmem>>, vector<64x1xf32>
      %mul3A_49 = vector.broadcast %get3A_48 : vector<64x1xf32> to vector<64x768xf32>
      %mul3A_50 = arith.mulf %dot_general3A_42, %mul3A_49 : vector<64x768xf32>
      %swap3A = arith.constant 0 : index
      %swap3A_51 = arith.constant 0 : index
      %swap3A_52 = vector.load %arg8[%swap3A, %swap3A_51] : memref<128x768xf32, #tpu.memory_space<vmem>>, vector<64x768xf32>
      tpu.vector_store %arg8[%swap3A, %swap3A_51], %mul3A_50 {strides = array<i32>} : memref<128x768xf32, #tpu.memory_space<vmem>>, vector<64x768xf32>,
      %get3A_53 = arith.constant 64 : index
      %get3A_54 = arith.constant 0 : index
      %get3A_55 = vector.load %arg1[%get3A_53, %get3A_54] : memref<128x768xf32, #tpu.memory_space<vmem>>, vector<64x768xf32>
      %convert_element_type3A_56 = arith.truncf %get3A_55 : vector<64x768xf32> to vector<64x768xbf16>
      %get3A_57 = arith.constant 1 : index
      %get3A_58 = arith.constant 0 : index
      %get3A_59 = arith.constant 0 : index
      %get3A_60 = vector.load %arg3[%get3A_57, %get3A_58, %get3A_59] : memref<2x768x1536xf32, #tpu.memory_space<vmem>>, vector<1x768x1536xf32>
      %get3A_61 = vector.shape_cast %get3A_60 : vector<1x768x1536xf32> to vector<768x1536xf32>
      %convert_element_type3A_62 = arith.truncf %get3A_61 : vector<768x1536xf32> to vector<768x1536xbf16>
      %dot_general3A_63 = arith.constant dense<0.000000e+00> : vector<64x1536xf32>
      %dot_general3A_64 = tpu.matmul %convert_element_type3A_56, %convert_element_type3A_62, %dot_general3A_63 {dimension_numbers = #tpu.dot_dimension_numbers<[1], [0], [0], [1], [0, 0, 1, 1], [], []>, transpose_lhs_hint = false} : vector<64x768xbf16>, vector<768x1536xbf16>, vector<64x1536xf32> -> vector<64x1536xf32>
      %get3A_65 = arith.constant 1 : index
      %get3A_66 = arith.constant 0 : index
      %get3A_67 = arith.constant 0 : index
      %get3A_68 = vector.load %arg4[%get3A_65, %get3A_66, %get3A_67] : memref<2x768x1536xf32, #tpu.memory_space<vmem>>, vector<1x768x1536xf32>
      %get3A_69 = vector.shape_cast %get3A_68 : vector<1x768x1536xf32> to vector<768x1536xf32>
      %convert_element_type3A_70 = arith.truncf %get3A_69 : vector<768x1536xf32> to vector<768x1536xbf16>
      %dot_general3A_71 = arith.constant dense<0.000000e+00> : vector<64x1536xf32>
      %dot_general3A_72 = tpu.matmul %convert_element_type3A_56, %convert_element_type3A_70, %dot_general3A_71 {dimension_numbers = #tpu.dot_dimension_numbers<[1], [0], [0], [1], [0, 0, 1, 1], [], []>, transpose_lhs_hint = false} : vector<64x768xbf16>, vector<768x1536xbf16>, vector<64x1536xf32> -> vector<64x1536xf32>
      %logistic3A_73 = arith.negf %dot_general3A_64 : vector<64x1536xf32>
      %logistic3A_74 = math.exp %logistic3A_73 : vector<64x1536xf32>
      %logistic3A_75 = arith.constant 1.000000e+00 : f32
      %logistic3A_76 = vector.broadcast %logistic3A_75 : f32 to vector<64x1536xf32>
      %logistic3A_77 = arith.addf %logistic3A_76, %logistic3A_74 : vector<64x1536xf32>
      %logistic3A_78 = arith.divf %logistic3A_76, %logistic3A_77 : vector<64x1536xf32>
      %mul3A_79 = arith.mulf %dot_general3A_64, %logistic3A_78 : vector<64x1536xf32>
      %mul3A_80 = arith.mulf %mul3A_79, %dot_general3A_72 : vector<64x1536xf32>
      %convert_element_type3A_81 = arith.truncf %mul3A_80 : vector<64x1536xf32> to vector<64x1536xbf16>
      %get3A_82 = arith.constant 1 : index
      %get3A_83 = arith.constant 0 : index
      %get3A_84 = arith.constant 0 : index
      %get3A_85 = vector.load %arg5[%get3A_82, %get3A_83, %get3A_84] : memref<2x1536x768xf32, #tpu.memory_space<vmem>>, vector<1x1536x768xf32>
      %get3A_86 = vector.shape_cast %get3A_85 : vector<1x1536x768xf32> to vector<1536x768xf32>
      %convert_element_type3A_87 = arith.truncf %get3A_86 : vector<1536x768xf32> to vector<1536x768xbf16>
      %dot_general3A_88 = arith.constant dense<0.000000e+00> : vector<64x768xf32>
      %dot_general3A_89 = tpu.matmul %convert_element_type3A_81, %convert_element_type3A_87, %dot_general3A_88 {dimension_numbers = #tpu.dot_dimension_numbers<[1], [0], [0], [1], [0, 0, 1, 1], [], []>, transpose_lhs_hint = false} : vector<64x1536xbf16>, vector<1536x768xbf16>, vector<64x768xf32> -> vector<64x768xf32>
      %mul3A_90 = arith.constant 128 : i32
      %mul3A_91 = arith.muli %arg0, %mul3A_90 : i32
      %add3A_92 = arith.constant 64 : i32
      %add3A_93 = arith.addi %mul3A_91, %add3A_92 : i32
      %get3A_94 = arith.index_cast %add3A_93 : i32 to index
      %get3A_95 = arith.constant 0 : index
      %get3A_96 = vector.load %arg2[%get3A_94, %get3A_95] : memref<4096x1xf32, #tpu.memory_space<vmem>>, vector<64x1xf32>
      %mul3A_97 = vector.broadcast %get3A_96 : vector<64x1xf32> to vector<64x768xf32>
      %mul3A_98 = arith.mulf %dot_general3A_89, %mul3A_97 : vector<64x768xf32>
      %swap3A_99 = arith.constant 64 : index
      %swap3A_100 = arith.constant 0 : index
      %swap3A_101 = vector.load %arg8[%swap3A_99, %swap3A_100] : memref<128x768xf32, #tpu.memory_space<vmem>>, vector<64x768xf32>
      tpu.vector_store %arg8[%swap3A_99, %swap3A_100], %mul3A_98 {strides = array<i32>} : memref<128x768xf32, #tpu.memory_space<vmem>>, vector<64x768xf32>,
    } else {
    }
    %eq3A = arith.constant 32 : i32
    %eq3A_2 = arith.cmpi eq, %arg0, %eq3A : i32
    %convert_element_type3A_3 = arith.extui %eq3A_2 : i1 to i32
    %cond3A_4 = arith.constant 0 : i32
    %cond3A_5 = arith.cmpi ne, %convert_element_type3A_3, %cond3A_4 : i32
    scf.if %cond3A_5 {
      %broadcast_in_dim3A = arith.constant 0.000000e+00 : f32
      %broadcast_in_dim3A_10 = vector.broadcast %broadcast_in_dim3A : f32 to vector<128x768xf32>
      %swap3A = arith.constant 0 : index
      %swap3A_11 = arith.constant 0 : index
      %swap3A_12 = vector.load %arg8[%swap3A, %swap3A_11] : memref<128x768xf32, #tpu.memory_space<vmem>>, vector<128x768xf32>
      tpu.vector_store %arg8[%swap3A, %swap3A_11], %broadcast_in_dim3A_10 {strides = array<i32>} : memref<128x768xf32, #tpu.memory_space<vmem>>, vector<128x768xf32>,
    } else {
    }
    %gt3A = arith.constant 32 : i32
    %gt3A_6 = arith.cmpi sgt, %arg0, %gt3A : i32
    %convert_element_type3A_7 = arith.extui %gt3A_6 : i1 to i32
    %cond3A_8 = arith.constant 0 : i32
    %cond3A_9 = arith.cmpi ne, %convert_element_type3A_7, %cond3A_8 : i32
    scf.if %cond3A_9 {
      %sub3A = arith.constant 33 : i32
      %sub3A_10 = arith.subi %arg0, %sub3A : i32
      %max3A = arith.constant 0 : i32
      %max3A_11 = arith.maxsi %sub3A_10, %max3A : i32
      %mul3A = arith.constant 128 : i32
      %mul3A_12 = arith.muli %max3A_11, %mul3A : i32
      %get3A = arith.constant 0 : index
      %get3A_13 = arith.constant 0 : index
      %get3A_14 = vector.load %arg6[%get3A, %get3A_13] : memref<128x768xf32, #tpu.memory_space<vmem>>, vector<128x768xf32>
      %get3A_15 = arith.index_cast %mul3A_12 : i32 to index
      %get3A_16 = arith.constant 0 : index
      %get3A_17 = vector.load %arg7[%get3A_15, %get3A_16] : memref<2048x1xf32, #tpu.memory_space<vmem>>, vector<128x1xf32>
      %mul3A_18 = vector.broadcast %get3A_17 : vector<128x1xf32> to vector<128x768xf32>
      %mul3A_19 = arith.mulf %get3A_14, %mul3A_18 : vector<128x768xf32>
      %swap3A = arith.constant 0 : index
      %swap3A_20 = arith.constant 0 : index
      %swap3A_21 = vector.load %arg8[%swap3A, %swap3A_20] : memref<128x768xf32, #tpu.memory_space<vmem>>, vector<128x768xf32>
      tpu.vector_store %arg8[%swap3A, %swap3A_20], %mul3A_19 {strides = array<i32>} : memref<128x768xf32, #tpu.memory_space<vmem>>, vector<128x768xf32>,
    } else {
    }
    return
  }
  func.func @transform_0(%arg0: i32) -> (i32, i32) {
    %min3A = arith.constant 31 : i32
    %min3A_0 = arith.minsi %arg0, %min3A : i32
    %c0_i32 = arith.constant 0 : i32
    %c0_i32_1 = arith.constant 0 : i32
    return %min3A_0, %c0_i32 : i32, i32
  }
  func.func @transform_1(%arg0: i32) -> (i32, i32) {
    %c0_i32 = arith.constant 0 : i32
    %c0_i32_0 = arith.constant 0 : i32
    %c0_i32_1 = arith.constant 0 : i32
    return %c0_i32, %c0_i32_0 : i32, i32
  }
  func.func @transform_2(%arg0: i32) -> (i32, i32, i32) {
    %min3A = arith.constant 31 : i32
    %min3A_0 = arith.minsi %arg0, %min3A : i32
    %c0_i32 = arith.constant 0 : i32
    %c0_i32_1 = arith.constant 0 : i32
    %c0_i32_2 = arith.constant 0 : i32
    return %min3A_0, %c0_i32, %c0_i32_1 : i32, i32, i32
  }
  func.func @transform_3(%arg0: i32) -> (i32, i32, i32) {
    %min3A = arith.constant 31 : i32
    %min3A_0 = arith.minsi %arg0, %min3A : i32
    %c0_i32 = arith.constant 0 : i32
    %c0_i32_1 = arith.constant 0 : i32
    %c0_i32_2 = arith.constant 0 : i32
    return %min3A_0, %c0_i32, %c0_i32_1 : i32, i32, i32
  }
  func.func @transform_4(%arg0: i32) -> (i32, i32, i32) {
    %min3A = arith.constant 31 : i32
    %min3A_0 = arith.minsi %arg0, %min3A : i32
    %c0_i32 = arith.constant 0 : i32
    %c0_i32_1 = arith.constant 0 : i32
    %c0_i32_2 = arith.constant 0 : i32
    return %min3A_0, %c0_i32, %c0_i32_1 : i32, i32, i32
  }
  func.func @transform_5(%arg0: i32) -> (i32, i32) {
    %sub3A = arith.constant 33 : i32
    %sub3A_0 = arith.subi %arg0, %sub3A : i32
    %max3A = arith.constant 0 : i32
    %max3A_1 = arith.maxsi %sub3A_0, %max3A : i32
    %c0_i32 = arith.constant 0 : i32
    %c0_i32_2 = arith.constant 0 : i32
    return %max3A_1, %c0_i32 : i32, i32
  }
  func.func @transform_6(%arg0: i32) -> (i32, i32) {
    %c0_i32 = arith.constant 0 : i32
    %c0_i32_0 = arith.constant 0 : i32
    %c0_i32_1 = arith.constant 0 : i32
    return %c0_i32, %c0_i32_0 : i32, i32
  }
  func.func @transform_7(%arg0: i32) -> (i32, i32) {
    %c0_i32 = arith.constant 0 : i32
    %c0_i32_0 = arith.constant 0 : i32
    return %arg0, %c0_i32 : i32, i32
  }
}

</mosaic_0001>

<sc_bundles>
// kernel: kernel.6.cloned.1.call-start
scs
__scs_entry_jumppad:
0x0: {  	(pc) =	sbr.rel $0x88, $3  }
0x1: {  	(tag) =	ssettag $0x0;
	lr =	simm.s32 $0x1  }
0x2: {  	[smem:$0x3F9B] =	sst lr;
	_ =	strace $0xD0000000  }
0x3: {  	_ = 	snop  }
0x4: {  	_ = 	snop  }
0x5: {  	_ = 	snop  }
0x6: {  	_ = 	snop  }
0x7: {  	_ = 	snop  }
__scs_overlays_trampoline_lowered:
0x8: {  	[smem:$0x3FAA] =	sst s0  }
0x9: {  	[smem:$0x3FAB] =	sst s1  }
0xa: {  	[smem:$0x3FAC] =	sst s2  }
0xb: {  	[smem:$0x3FAD] =	sst s3  }
0xc: {  	[smem:$0x3FAE] =	sst s4  }
0xd: {  	[smem:$0x3FAF] =	sst s5  }
0xe: {  	[smem:$0x3FB0] =	sst s6  }
0xf: {  	[smem:$0x3FB1] =	sst s7  }
0x10: {  	[smem:$0x3FB2] =	sst s8  }
0x11: {  	[smem:$0x3FB3] =	sst s9;
	s0 =	simm.s32 @!p0 $0x0  }
0x12: {  	s1 =	sld [smem:$0x3F99];
	s0 =	simm.s32 @p0 $0x1  }
0x13: {  	[smem:$0x3FB4] =	sst s0;
	s0 =	simm.s32 @!p1 $0x0  }
0x14: {  	s2 =	sld [smem:$0x3F98];
	s0 =	simm.s32 @p1 $0x1  }
0x15: {  	[smem:$0x3FB5] =	sst s0;
	s0 =	simm.s32 @!p2 $0x0  }
0x16: {  	s3 =	sld [smem:$0x3FDB];
	s0 =	simm.s32 @p2 $0x1  }
0x17: {  	s4 =	simm.s32 $0x1BF5;
	[smem:$0x3FB7] =	sst s0  }
0x18: {  	s0 =	sld [smem:$0x3F9A];
	_ =	swait.ge [sflag:s4], $0x0  }
0x19: {  	s7 =	sld [smem:$0x3F9B]  }
0x1a: {  	s8 =	sadd.s32 $0xFFFFE003, lr  }
0x1b: {  	s9 =	sadd.s32 $0xFFFFFEF7, lr;
	s5 =	simm.s32 $0xFFFFFFFF;
	p2 =	slt.u32 s8, $0xFFFFF086  }
0x1c: {  	p1 =	slt.u32 s9, $0xF7A;
	s5 =	simm.s32 @!p2 $0x0  }
0x1d: {  	s5 =	simm.s32 @p1 $0x1;
	p0 =	seq.s32 s7, s2  }
0x1e: {  	s7 =	smul.u32 @!p0 $0xF7A, s2;
	p2 =	seq.s32 @!p0 s5, $0x0  }
0x1f: {  	s9 =	smul.u32 $0xF7A, s1;
	s8 =	simm.s32 @!p0 $0x1BF5;
	p2 =	por !p2, p0  }
0x20: {  	[sflag:s8] =	ssyncset.s32 @!p0 $0xFFFFF086;
	s6 =	sadd.s32 @!p0 s3, s7;
	s7 =	simm.s32 @!p0 $0x108  }
0x21: {  	s3 =	sadd.s32 s3, s9;
	s6 =	sadd.s32 @!p0 $0x88, s6;
	s7 =	simm.s32 @p2 $0x1082  }
0x22: {  	[simem:s7], [sflag:s8] =	dma.local @!p0 [hbm:s6], $0xF7A  }
0x23: {  	s9 =	sor.u32 $0xD0000000, s2;
	s6 =	simm.s32 $0x108;
	_ =	swait.ge @!p0 [sflag:s8], $0x0  }
0x24: {  	s3 =	sadd.s32 $0x88, s3;
	s6 =	simm.s32 @!p1 $0x1082;
	[sflag:s4] =	ssyncset.s32 $0xFFFFF086  }
0x25: {  	[simem:s6], [sflag:s4] =	dma.local [hbm:s3], $0xF7A  }
0x26: {  	[smem:$0x3F9B] =	sst s1;
	(tag) =	ssettag s2;
	_ =	strace s9  }
0x27: {  	s1 =	sld [smem:$0x3FAB]  }
0x28: {  	s2 =	sld [smem:$0x3FAC]  }
0x29: {  	s4 =	sld [smem:$0x3FAE]  }
0x2a: {  	p0 =	seq.s32 s5, $0x0;
	s5 =	sld [smem:$0x3FAF]  }
0x2b: {  	s6 =	sld [smem:$0x3FB0]  }
0x2c: {  	s7 =	sld [smem:$0x3FB1]  }
0x2d: {  	s3 =	simm.s32 $0x108;
	s8 =	sld [smem:$0x3FB2]  }
0x2e: {  	s3 =	simm.s32 @!p0 $0x1082;
	s9 =	sld [smem:$0x3FB3]  }
0x2f: {  	lr =	sadd.s32 s0, s3;
	s0 =	sld [smem:$0x3FAA]  }
0x30: {  	s3 =	sld [smem:$0x3FAD]  }
0x31: {  	[smem:$0x3FB6] =	sst s10  }
0x32: {  	s10 =	sld [smem:$0x3FB4];
	_ =	sdelay $0x3  }
0x33: {  	p0 =	seq.s32 s10, $0x1;
	s10 =	sld [smem:$0x3FB6];
	_ =	sdelay $0x3  }
0x34: {  	[smem:$0x3FB6] =	sst s10  }
0x35: {  	s10 =	sld [smem:$0x3FB5];
	_ =	sdelay $0x3  }
0x36: {  	p1 =	seq.s32 s10, $0x1;
	s10 =	sld [smem:$0x3FB6];
	_ =	sdelay $0x3  }
0x37: {  	[smem:$0x3FB6] =	sst s10  }
0x38: {  	s10 =	sld [smem:$0x3FB7]  }
0x39: {  	_ = 	snop;
	(pc) =	sbr.ind lr, $3  }
0x3a: {  	_ = 	snop  }
0x3b: {  	_ = 	snop  }
0x3c: {  	p2 =	seq.s32 s10, $0x1;
	s10 =	sld [smem:$0x3FB6]  }
0x3d: {  	_ =	shalt  }
0x3e: {  	_ =	shalt  }
0x3f: {  	_ =	shalt  }
0x40: {  	_ =	shalt  }
0x41: {  	_ =	shalt  }
0x42: {  	_ =	shalt  }
0x43: {  	_ =	shalt  }
0x44: {  	_ =	shalt  }
0x45: {  	_ =	shalt  }
0x46: {  	_ =	shalt  }
0x47: {  	_ =	shalt  }
0x48: {  	_ =	shalt  }
0x49: {  	_ =	shalt  }
0x4a: {  	_ =	shalt  }
0x4b: {  	_ =	shalt  }
0x4c: {  	_ =	shalt  }
0x4d: {  	_ =	shalt  }
0x4e: {  	_ =	shalt  }
0x4f: {  	_ =	shalt  }
0x50: {  	_ =	shalt  }
0x51: {  	_ =	shalt  }
0x52: {  	_ =	shalt  }
0x53: {  	_ =	shalt  }
0x54: {  	_ =	shalt  }
0x55: {  	_ =	shalt  }
0x56: {  	_ =	shalt  }
0x57: {  	_ =	shalt  }
0x58: {  	_ =	shalt  }
0x59: {  	_ =	shalt  }
0x5a: {  	_ =	shalt  }
0x5b: {  	_ =	shalt  }
0x5c: {  	_ =	shalt  }
0x5d: {  	_ =	shalt  }
0x5e: {  	_ =	shalt  }
0x5f: {  	_ =	shalt  }
0x60: {  	_ =	shalt  }
0x61: {  	_ =	shalt  }
0x62: {  	_ =	shalt  }
0x63: {  	_ =	shalt  }
0x64: {  	_ =	shalt  }
0x65: {  	_ =	shalt  }
0x66: {  	_ =	shalt  }
0x67: {  	_ =	shalt  }
0x68: {  	_ =	shalt  }
0x69: {  	_ =	shalt  }
0x6a: {  	_ =	shalt  }
0x6b: {  	_ =	shalt  }
0x6c: {  	_ =	shalt  }
0x6d: {  	_ =	shalt  }
0x6e: {  	_ =	shalt  }
0x6f: {  	_ =	shalt  }
0x70: {  	_ =	shalt  }
0x71: {  	_ =	shalt  }
0x72: {  	_ =	shalt  }
0x73: {  	_ =	shalt  }
0x74: {  	_ =	shalt  }
0x75: {  	_ =	shalt  }
0x76: {  	_ =	shalt  }
0x77: {  	_ =	shalt  }
0x78: {  	_ =	shalt  }
0x79: {  	_ =	shalt  }
0x7a: {  	_ =	shalt  }
0x7b: {  	_ =	shalt  }
0x7c: {  	_ =	shalt  }
0x7d: {  	_ =	shalt  }
0x7e: {  	_ =	shalt  }
0x7f: {  	_ =	shalt  }
0x80: {  	_ =	shalt  }
0x81: {  	_ =	shalt  }
0x82: {  	_ =	shalt  }
0x83: {  	_ =	shalt  }
0x84: {  	_ =	shalt  }
0x85: {  	_ =	shalt  }
0x86: {  	_ =	shalt  }
0x87: {  	_ =	shalt  }
.Lfunc_end0:
.L_simem_size_0:
called_computation_lowered:
.L_overlay_start_0:
0x88: {  	s2 =	sld [smem:$0x3FD9]  }
0x89: {  	s3 =	sld [smem:$0x3FFE];
	_ =	sdelay $0x1  }
0x8a: {  	s1 =	srdreg.scid  }
0x8b: {  	s0 =	sand.u32 $0x1, s1  }
0x8c: {  	s17 =	sshll.u32 s0, $0xA;
	s2 =	sadd.s32 s3, s2  }
0x8d: {  	s2 =	sadd.s32 s2, s17  }
0x8e: {  	[smem:$0x3FC2] =	sst s2  }
0x8f: {  	_ = 	snop  }
0x90: {  	s2 =	sld [smem:$0x3FC9];
	(tm) =	ssettm $0x1  }
0x91: {  	s18 =	sld [smem:$0x3FFB];
	_ =	sdelay $0x3  }
0x92: {  	_ =	strace s18  }
0x93: {  	s3 =	sld [smem:$0x3FFC];
	_ =	sdelay $0x3  }
0x94: {  	_ =	strace s3  }
0x95: {  	s3 =	sld [smem:$0x3FFD];
	_ =	sdelay $0x3  }
0x96: {  	_ =	strace s3  }
0x97: {  	_ =	strace $0x8FFFFFFF  }
0x98: {  	s19 =	sld [smem:$0x3FDB];
	_ =	sdelay $0x1  }
0x99: {  	s4 =	simm.s32 $_scs_section_size  }
0x9a: {  	s5 =	simm.s32 $_size__tile_overlayer_lowered;
	s6 =	simm.s32 $_tile_overlayer_lowered  }
0x9b: {  	s22 =	simm.s32 $0x1BFF;
	s21 =	sshll.u32 s6, $0x1;
	s3 =	sadd.s32 s4, s19  }
0x9c: {  	s7 =	simm.s32 $0x0;
	s20 =	sshll.u32 s5, $0x1;
	s5 =	sadd.s32 s21, s3  }
0x9d: {  	[timem:s7], [sflag:s22] =	dma.local [hbm:s5], s20  }
0x9e: {  	_ =	swait.ge [sflag:s22], s20  }
0x9f: {  	s4 =	ssub.s32 $0x0, s20;
	[sflag:s22] =	ssyncset.done $0x0  }
0xa0: {  	[sflag:s22] =	ssyncadd.s32 s4;
	_ =	sdelay $0x1  }
0xa1: {  	s23 =	simm.s32 $0x1B8B  }
0xa2: {  	_ =	swait.ge [sflag:s23], $0x1  }
0xa3: {  	[sflag:s23] =	ssyncset.done $0x0  }
0xa4: {  	s25 =	simm.s32 $0x1B8E;
	s24 =	sld [smem:$0x3FFE];
	[sflag:s23] =	ssyncadd.s32 $0xFFFFFFFF  }
0xa5: {  	s26 =	simm.s32 $execute0_lowered;
	[smem:$0x3FD2] =	sst s25  }
0xa6: {  	s5 =	sshll.u32 s26, $0x1;
	_ =	strace $0x80000046;
	[dreg:$0x1] =	wrdreg $0xFFFFFFFF  }
0xa7: {  	s28 =	simm.s32 $_size_execute0_lowered;
	s3 =	sadd.s32 s3, s5;
	[dreg:$0x0] =	wrdreg $0x0  }
0xa8: {  	s5 =	sshll.u32 s28, $0x1;
	[dreg:$0x2] =	wrdreg s3  }
0xa9: {  	[dreg:$0x3] =	wrdreg s5  }
0xaa: {  	[dreg:$0x4] =	wrdreg $0xC0  }
0xab: {  	_ =	task [dreg:s7], $0x5FFFF  }
0xac: {  	[dreg:$0x1] =	wrdreg $0xFFFFFFFF  }
0xad: {  	[dreg:$0x0] =	wrdreg $0x60  }
0xae: {  	[dreg:$0x2] =	wrdreg s24  }
0xaf: {  	[dreg:$0x3] =	wrdreg s2  }
0xb0: {  	[dreg:$0x4] =	wrdreg $0x9  }
0xb1: {  	_ =	task.clear_ibuf [dreg:s7], $0x5FFFF;
	_ =	strace $0x90000046  }
0xb2: {  	s29 =	simm.s32 $0x9;
	_ =	strace $0x80000048  }
0xb3: {  	_ =	swait.ge [sflag:s29], $0x1  }
0xb4: {  	[sflag:s29] =	ssyncadd.s32 $0xFFFFFFFF  }
0xb5: {  	_ =	strace $0x90000048  }
0xb6: {  	_ =	sfence  }
0xb7: {  	s30 =	sld [smem:$0x0];
	_ =	sdelay $0x2  }
0xb8: {  	s31 =	sshll.u32 s1, $0xD;
	s1 =	sshrl.u32 s1, $0x2  }
0xb9: {  	s3 =	sand.u32 $0x4000, s31;
	s1 =	sadd.s32 s1, s30  }
0xba: {  	s0 =	sor.u32 s3, s0;
	s1 =	sshll.u32 s1, $0x11  }
0xbb: {  	s0 =	sor.u32 s1, s0  }
0xbc: {  	s0 =	sadd.s32 $0x8F2B, s0  }
0xbd: {  	[sflag:s0] =	ssyncadd.remote.s32 $0x1  }
0xbe: {  	_ =	sfence.sel $0xFFFF  }
0xbf: {  	[dreg:$0x0] =	wrdreg $0xFFFFFFFF;
	(pc) =	sbr.abs _section_cstart, $3  }
0xc0: {  	[dreg:$0x1] =	wrdreg $0xFFFFFFFF  }
0xc1: {  	_ =	task.clear_ibuf [dreg:s7], $0x2FFFF;
	_ =	strace $0x9FFFFFFF  }
0xc2: {  	(tm) =	ssettm $0x7FFFFFFF  }
0xc3: {  	_ =	shalt  }
tec
execute0_lowered:
.L_overlay_start_1:
0x0: {  	(tag) =	ssettag $0x1  }
0x1: {  	s0 =	rddreg [dreg:$0x0]  }
0x2: {  	s1 =	rddreg [dreg:$0x1];
	s3 =	simm.s32 $0x0  }
0x3: {  	s21 =	simm.s32 $0x80;
	[smem:$0x7FF] =	sst s3  }
0x4: {  	s22 =	simm.s32 $0x900;
	_ =	strace $0x80000047;
	[dreg:$0x7] =	wrdreg s21  }
0x5: {  	s23 =	simm.s32 $0x1100;
	[dreg:$0x8] =	wrdreg s22  }
0x6: {  	s24 =	simm.s32 $0x1900;
	[dreg:$0x9] =	wrdreg s23  }
0x7: {  	s4 =	srdreg.scid;
	s25 =	simm.s32 $0x2100;
	[dreg:$0xa] =	wrdreg s24  }
0x8: {  	s2 =	stileid.u32;
	s26 =	simm.s32 $0x2900;
	[dreg:$0xb] =	wrdreg s25  }
0x9: {  	s5 =	sshll.u32 s2, $0x5;
	s2 =	simm.s32 $0x3100;
	[dreg:$0xc] =	wrdreg s26  }
0xa: {  	s9 =	simm.s32 $0x5900;
	s10 =	simm.s32 $0x6100;
	[dreg:$0xd] =	wrdreg s2  }
0xb: {  	s11 =	simm.s32 $0x6900;
	s12 =	simm.s32 $0x7100;
	[dreg:$0x12] =	wrdreg s9  }
0xc: {  	s13 =	simm.s32 $0x7900;
	s14 =	simm.s32 $0x8100;
	[dreg:$0x13] =	wrdreg s10  }
0xd: {  	s15 =	simm.s32 $0x8900;
	s16 =	simm.s32 $0x9100;
	[dreg:$0x14] =	wrdreg s11  }
0xe: {  	s17 =	simm.s32 $0x9900;
	s28 =	simm.s32 $0x16900;
	[dreg:$0x15] =	wrdreg s12  }
0xf: {  	s29 =	simm.s32 $0x17100;
	s30 =	simm.s32 $0x17900;
	[dreg:$0x16] =	wrdreg s13  }
0x10: {  	s31 =	simm.s32 $0x1;
	s4 =	sand.u32 $0x1, s4;
	[dreg:$0x17] =	wrdreg s14  }
0x11: {  	s7 =	sadd.s32 $0x8A00, s0;
	s0 =	sadd.s32 $0x8C00, s0;
	[dreg:$0x18] =	wrdreg s15  }
0x12: {  	s6 =	sshll.u32 s4, $0x4;
	s4 =	ssub.s32 $0x2, s4;
	[dreg:$0x19] =	wrdreg s16  }
0x13: {  	[dreg:$0x1a] =	wrdreg s17;
	s21 =	simm.s32 $0xA900;
	s22 =	simm.s32 $0xB100  }
0x14: {  	s23 =	simm.s32 $0xB900;
	s24 =	simm.s32 $0xC900;
	s25 =	simm.s32 $0xD100  }
0x15: {  	s26 =	simm.s32 $0xD900;
	s9 =	simm.s32 $0xC100;
	[dreg:$0x1c] =	wrdreg s21  }
0x16: {  	s11 =	simm.s32 $0xE900;
	s12 =	simm.s32 $0xF100;
	[dreg:$0x1d] =	wrdreg s22  }
0x17: {  	s13 =	simm.s32 $0xF900;
	s14 =	simm.s32 $0x10100;
	[dreg:$0x1e] =	wrdreg s23  }
0x18: {  	s15 =	simm.s32 $0x10900;
	s16 =	simm.s32 $0x11100;
	[dreg:$0x1f] =	wrdreg s24  }
0x19: {  	s17 =	simm.s32 $0x11900;
	s5 =	sor.u32 s6, s5;
	[smem:$0x7FC] =	sst s25  }
0x1a: {  	s18 =	sshrl.u32 s4, $0x1;
	[smem:$0x7FD] =	sst s26;
	s21 =	simm.s32 $0x13900  }
0x1b: {  	s22 =	simm.s32 $0x14100;
	s23 =	simm.s32 $0x14900;
	s24 =	simm.s32 $0x15100  }
0x1c: {  	s25 =	simm.s32 $0x15900;
	s6 =	sadd.s32 s7, s5;
	s8 =	sor.u32 $0x8, s5  }
0x1d: {  	s26 =	simm.s32 $0x16100;
	[dreg:$0x3] =	wrdreg s6;
	s19 =	sadd.s32 s7, s8  }
0x1e: {  	s5 =	smul.u32 $0x300, s5;
	s6 =	simm.s32 $0x4100;
	[dreg:$0x4] =	wrdreg s19  }
0x1f: {  	s20 =	smul.u32 $0x300, s8;
	s7 =	simm.s32 $0x4900;
	[dreg:$0xf] =	wrdreg s6  }
0x20: {  	s8 =	simm.s32 $0x5100;
	s5 =	sadd.s32 s0, s5;
	[dreg:$0x10] =	wrdreg s7  }
0x21: {  	[dreg:$0x11] =	wrdreg s8;
	s19 =	simm.s32 $0xA100;
	s7 =	simm.s32 $0x3  }
0x22: {  	s8 =	simm.s32 $0x100;
	[dreg:$0x5] =	wrdreg s5;
	s0 =	sadd.s32 s0, s20  }
0x23: {  	s5 =	simm.s32 $0x3900;
	s20 =	ssub.s32 s4, s18;
	[dreg:$0x1b] =	wrdreg s19  }
0x24: {  	v2 =	vlaneseq.u32;
	s4 =	sadd.s32 $0x100, s1;
	s18 =	simm.s32 $0x12100;
	[dreg:$0x6] =	wrdreg s0  }
0x25: {  	vm0 =	vmmov $0xffff;
	v1 =	vshrl.u32 v2, $0x3;
	s19 =	simm.s32 $0x12900;
	[dreg:$0xe] =	wrdreg s5;
	s5 =	sadd.s32 $0x200, s1  }
0x26: {  	v0 =	vand.u32 $0x7, v2;
	v2 =	vor.u32 $0x8, v2;
	v1 =	vmul.u32 $0x8, v1;
	s6 =	smax.u32 s20, $0x1;
	s20 =	simm.s32 $0x13100;
	s0 =	simm.s32 $0x2  }
.LBB2_1:
0x27: {  	s2 =	rddreg [dreg:$0x3]  }
0x28: {  	[tilespmem:s3], [sflag:$0x3] =	stream.linear.gather [hbm4b:s2+s3], $0x40, $0x38;
	[tilespmem:$0x18100] =	vst v63  }
0x29: {  	_ =	swait.ge [sflag:s7], $0x40  }
0x2a: {  	s2 =	rddreg [dreg:$0x4];
	[sflag:s7] =	ssyncset.done $0x0  }
0x2b: {  	s10 =	rddreg [dreg:$0x7];
	[sflag:s7] =	ssyncadd.s32 $0xFFFFFFC0  }
0x2c: {  	[tilespmem:s10], [sflag:$0x3] =	stream.linear.gather [hbm4b:s2+s3], $0x40, $0x38;
	[tilespmem:$0x18100] =	vst v63  }
0x2d: {  	_ =	swait.ge [sflag:s7], $0x40  }
0x2e: {  	[sflag:s7] =	ssyncset.done $0x0  }
0x2f: {  	[sflag:s7] =	ssyncadd.s32 $0xFFFFFFC0  }
0x30: {  	v3 =	vld [tilespmem:$0x0];
	_ =	sdelay $0x4  }
0x31: {  	v4 =	vshrl.u32 v3, $0x3  }
0x32: {  	v4 =	vmul.u32 $0x30, v4  }
0x33: {  	v3 =	vand.u32 $0x7, v3  }
0x34: {  	v3 =	vor.u32 v3, v4  }
0x35: {  	v4 =	vperm.xlane v3, v0;
	_ =	sdelay $0x1  }
0x36: {  	v4 =	vadd.s32 v1, v4;
	_ =	sdelay $0x3  }
0x37: {  	v3 =	vperm.xlane v3, v2  }
0x38: {  	[tilespmem:s8], [sflag:$0x1] =	stream.indirect_vreg.gather [hbm4b:s1+s3], $0x80, v4, vm0, $0xb8;
	[tilespmem:$0x18100] =	vst v63  }
0x39: {  	s2 =	rddreg [dreg:$0x8];
	v3 =	vadd.s32 v1, v3  }
0x3a: {  	[tilespmem:s2], [sflag:$0x1] =	stream.indirect_vreg.gather [hbm4b:s4+s3], $0x80, v4, vm0, $0xb8;
	[tilespmem:$0x18100] =	vst v63  }
0x3b: {  	s10 =	rddreg [dreg:$0x9]  }
0x3c: {  	[tilespmem:s10], [sflag:$0x1] =	stream.indirect_vreg.gather [hbm4b:s5+s3], $0x80, v4, vm0, $0xb8;
	[tilespmem:$0x18100] =	vst v63  }
0x3d: {  	s2 =	rddreg [dreg:$0xa]  }
0x3e: {  	[tilespmem:s2], [sflag:$0x1] =	stream.indirect_vreg.gather [hbm4b:s1+s3], $0x80, v3, vm0, $0xb8;
	[tilespmem:$0x18100] =	vst v63  }
0x3f: {  	s10 =	rddreg [dreg:$0xb]  }
0x40: {  	[tilespmem:s10], [sflag:$0x1] =	stream.indirect_vreg.gather [hbm4b:s4+s3], $0x80, v3, vm0, $0xb8;
	[tilespmem:$0x18100] =	vst v63  }
0x41: {  	s2 =	rddreg [dreg:$0xc]  }
0x42: {  	[tilespmem:s2], [sflag:$0x1] =	stream.indirect_vreg.gather [hbm4b:s5+s3], $0x80, v3, vm0, $0xb8;
	[tilespmem:$0x18100] =	vst v63  }
0x43: {  	v3 =	vld [tilespmem:$0x10];
	_ =	sdelay $0x4  }
0x44: {  	v57 =	vshrl.u32 v3, $0x3  }
0x45: {  	v4 =	vmul.u32 $0x30, v57  }
0x46: {  	v3 =	vand.u32 $0x7, v3  }
0x47: {  	v3 =	vor.u32 v3, v4  }
0x48: {  	v4 =	vperm.xlane v3, v0;
	_ =	sdelay $0x1  }
0x49: {  	v4 =	vadd.s32 v1, v4;
	_ =	sdelay $0x3  }
0x4a: {  	s2 =	rddreg [dreg:$0xd];
	v3 =	vperm.xlane v3, v2  }
0x4b: {  	[tilespmem:s2], [sflag:$0x1] =	stream.indirect_vreg.gather [hbm4b:s1+s3], $0x80, v4, vm0, $0xb8;
	[tilespmem:$0x18100] =	vst v63  }
0x4c: {  	s10 =	rddreg [dreg:$0xe];
	v3 =	vadd.s32 v1, v3  }
0x4d: {  	[tilespmem:s10], [sflag:$0x1] =	stream.indirect_vreg.gather [hbm4b:s4+s3], $0x80, v4, vm0, $0xb8;
	[tilespmem:$0x18100] =	vst v63  }
0x4e: {  	s2 =	rddreg [dreg:$0xf]  }
0x4f: {  	[tilespmem:s2], [sflag:$0x1] =	stream.indirect_vreg.gather [hbm4b:s5+s3], $0x80, v4, vm0, $0xb8;
	[tilespmem:$0x18100] =	vst v63  }
0x50: {  	s10 =	rddreg [dreg:$0x10]  }
0x51: {  	[tilespmem:s10], [sflag:$0x1] =	stream.indirect_vreg.gather [hbm4b:s1+s3], $0x80, v3, vm0, $0xb8;
	[tilespmem:$0x18100] =	vst v63  }
0x52: {  	s2 =	rddreg [dreg:$0x11]  }
0x53: {  	[tilespmem:s2], [sflag:$0x1] =	stream.indirect_vreg.gather [hbm4b:s4+s3], $0x80, v3, vm0, $0xb8;
	[tilespmem:$0x18100] =	vst v63  }
0x54: {  	s10 =	rddreg [dreg:$0x12]  }
0x55: {  	[tilespmem:s10], [sflag:$0x1] =	stream.indirect_vreg.gather [hbm4b:s5+s3], $0x80, v3, vm0, $0xb8;
	[tilespmem:$0x18100] =	vst v63  }
0x56: {  	v3 =	vld [tilespmem:$0x20];
	_ =	sdelay $0x4  }
0x57: {  	v58 =	vshrl.u32 v3, $0x3  }
0x58: {  	v4 =	vmul.u32 $0x30, v58  }
0x59: {  	v3 =	vand.u32 $0x7, v3  }
0x5a: {  	v3 =	vor.u32 v3, v4  }
0x5b: {  	v4 =	vperm.xlane v3, v0;
	_ =	sdelay $0x1  }
0x5c: {  	v4 =	vadd.s32 v1, v4;
	_ =	sdelay $0x3  }
0x5d: {  	s2 =	rddreg [dreg:$0x13];
	v3 =	vperm.xlane v3, v2  }
0x5e: {  	[tilespmem:s2], [sflag:$0x1] =	stream.indirect_vreg.gather [hbm4b:s1+s3], $0x80, v4, vm0, $0xb8;
	[tilespmem:$0x18100] =	vst v63  }
0x5f: {  	s10 =	rddreg [dreg:$0x14];
	v3 =	vadd.s32 v1, v3  }
0x60: {  	[tilespmem:s10], [sflag:$0x1] =	stream.indirect_vreg.gather [hbm4b:s4+s3], $0x80, v4, vm0, $0xb8;
	[tilespmem:$0x18100] =	vst v63  }
0x61: {  	s2 =	rddreg [dreg:$0x15]  }
0x62: {  	[tilespmem:s2], [sflag:$0x1] =	stream.indirect_vreg.gather [hbm4b:s5+s3], $0x80, v4, vm0, $0xb8;
	[tilespmem:$0x18100] =	vst v63  }
0x63: {  	s10 =	rddreg [dreg:$0x16]  }
0x64: {  	[tilespmem:s10], [sflag:$0x1] =	stream.indirect_vreg.gather [hbm4b:s1+s3], $0x80, v3, vm0, $0xb8;
	[tilespmem:$0x18100] =	vst v63  }
0x65: {  	s2 =	rddreg [dreg:$0x17]  }
0x66: {  	[tilespmem:s2], [sflag:$0x1] =	stream.indirect_vreg.gather [hbm4b:s4+s3], $0x80, v3, vm0, $0xb8;
	[tilespmem:$0x18100] =	vst v63  }
0x67: {  	s10 =	rddreg [dreg:$0x18]  }
0x68: {  	[tilespmem:s10], [sflag:$0x1] =	stream.indirect_vreg.gather [hbm4b:s5+s3], $0x80, v3, vm0, $0xb8;
	[tilespmem:$0x18100] =	vst v63  }
0x69: {  	v3 =	vld [tilespmem:$0x30];
	_ =	sdelay $0x4  }
0x6a: {  	v59 =	vshrl.u32 v3, $0x3  }
0x6b: {  	v4 =	vmul.u32 $0x30, v59  }
0x6c: {  	v3 =	vand.u32 $0x7, v3  }
0x6d: {  	v3 =	vor.u32 v3, v4  }
0x6e: {  	v4 =	vperm.xlane v3, v0;
	_ =	sdelay $0x1  }
0x6f: {  	v4 =	vadd.s32 v1, v4;
	_ =	sdelay $0x3  }
0x70: {  	s2 =	rddreg [dreg:$0x19];
	v3 =	vperm.xlane v3, v2  }
0x71: {  	[tilespmem:s2], [sflag:$0x1] =	stream.indirect_vreg.gather [hbm4b:s1+s3], $0x80, v4, vm0, $0xb8;
	[tilespmem:$0x18100] =	vst v63  }
0x72: {  	s10 =	rddreg [dreg:$0x1a];
	v3 =	vadd.s32 v1, v3  }
0x73: {  	[tilespmem:s10], [sflag:$0x1] =	stream.indirect_vreg.gather [hbm4b:s4+s3], $0x80, v4, vm0, $0xb8;
	[tilespmem:$0x18100] =	vst v63  }
0x74: {  	s2 =	rddreg [dreg:$0x1b]  }
0x75: {  	[tilespmem:s2], [sflag:$0x1] =	stream.indirect_vreg.gather [hbm4b:s5+s3], $0x80, v4, vm0, $0xb8;
	[tilespmem:$0x18100] =	vst v63  }
0x76: {  	s10 =	rddreg [dreg:$0x1c]  }
0x77: {  	[tilespmem:s10], [sflag:$0x1] =	stream.indirect_vreg.gather [hbm4b:s1+s3], $0x80, v3, vm0, $0xb8;
	[tilespmem:$0x18100] =	vst v63  }
0x78: {  	s2 =	rddreg [dreg:$0x1d]  }
0x79: {  	[tilespmem:s2], [sflag:$0x1] =	stream.indirect_vreg.gather [hbm4b:s4+s3], $0x80, v3, vm0, $0xb8;
	[tilespmem:$0x18100] =	vst v63  }
0x7a: {  	s10 =	rddreg [dreg:$0x1e]  }
0x7b: {  	[tilespmem:s10], [sflag:$0x1] =	stream.indirect_vreg.gather [hbm4b:s5+s3], $0x80, v3, vm0, $0xb8;
	[tilespmem:$0x18100] =	vst v63  }
0x7c: {  	v3 =	vld [tilespmem:$0x80];
	_ =	sdelay $0x4  }
0x7d: {  	v60 =	vshrl.u32 v3, $0x3  }
0x7e: {  	v4 =	vmul.u32 $0x30, v60  }
0x7f: {  	v3 =	vand.u32 $0x7, v3  }
0x80: {  	v3 =	vor.u32 v3, v4  }
0x81: {  	v4 =	vperm.xlane v3, v0;
	_ =	sdelay $0x1  }
0x82: {  	v4 =	vadd.s32 v1, v4;
	_ =	sdelay $0x3  }
0x83: {  	s2 =	rddreg [dreg:$0x1f];
	v3 =	vperm.xlane v3, v2  }
0x84: {  	[tilespmem:s9], [sflag:$0x2] =	stream.indirect_vreg.gather [hbm4b:s1+s3], $0x80, v4, vm0, $0xb8;
	[tilespmem:$0x18100] =	vst v63  }
0x85: {  	s10 =	sld [smem:$0x7FC];
	v3 =	vadd.s32 v1, v3  }
0x86: {  	[tilespmem:s2], [sflag:$0x2] =	stream.indirect_vreg.gather [hbm4b:s4+s3], $0x80, v4, vm0, $0xb8;
	[tilespmem:$0x18100] =	vst v63  }
0x87: {  	s2 =	sld [smem:$0x7FD]  }
0x88: {  	[tilespmem:s10], [sflag:$0x2] =	stream.indirect_vreg.gather [hbm4b:s5+s3], $0x80, v4, vm0, $0xb8;
	[tilespmem:$0x18100] =	vst v63  }
0x89: {  	_ = 	snop  }
0x8a: {  	[tilespmem:s2], [sflag:$0x2] =	stream.indirect_vreg.gather [hbm4b:s1+s3], $0x80, v3, vm0, $0xb8;
	[tilespmem:$0x18100] =	vst v63  }
0x8b: {  	s10 =	simm.s32 $0xE100  }
0x8c: {  	[tilespmem:s10], [sflag:$0x2] =	stream.indirect_vreg.gather [hbm4b:s4+s3], $0x80, v3, vm0, $0xb8;
	[tilespmem:$0x18100] =	vst v63  }
0x8d: {  	_ = 	snop  }
0x8e: {  	[tilespmem:s11], [sflag:$0x2] =	stream.indirect_vreg.gather [hbm4b:s5+s3], $0x80, v3, vm0, $0xb8;
	[tilespmem:$0x18100] =	vst v63  }
0x8f: {  	v3 =	vld [tilespmem:$0x90];
	_ =	sdelay $0x4  }
0x90: {  	v61 =	vshrl.u32 v3, $0x3  }
0x91: {  	v4 =	vmul.u32 $0x30, v61  }
0x92: {  	v3 =	vand.u32 $0x7, v3  }
0x93: {  	v3 =	vor.u32 v3, v4  }
0x94: {  	v4 =	vperm.xlane v3, v0;
	_ =	sdelay $0x1  }
0x95: {  	v4 =	vadd.s32 v1, v4;
	_ =	sdelay $0x3  }
0x96: {  	v3 =	vperm.xlane v3, v2  }
0x97: {  	[tilespmem:s12], [sflag:$0x2] =	stream.indirect_vreg.gather [hbm4b:s1+s3], $0x80, v4, vm0, $0xb8;
	[tilespmem:$0x18100] =	vst v63  }
0x98: {  	v3 =	vadd.s32 v1, v3  }
0x99: {  	[tilespmem:s13], [sflag:$0x2] =	stream.indirect_vreg.gather [hbm4b:s4+s3], $0x80, v4, vm0, $0xb8;
	[tilespmem:$0x18100] =	vst v63  }
0x9a: {  	_ = 	snop  }
0x9b: {  	[tilespmem:s14], [sflag:$0x2] =	stream.indirect_vreg.gather [hbm4b:s5+s3], $0x80, v4, vm0, $0xb8;
	[tilespmem:$0x18100] =	vst v63  }
0x9c: {  	_ = 	snop  }
0x9d: {  	[tilespmem:s15], [sflag:$0x2] =	stream.indirect_vreg.gather [hbm4b:s1+s3], $0x80, v3, vm0, $0xb8;
	[tilespmem:$0x18100] =	vst v63  }
0x9e: {  	_ = 	snop  }
0x9f: {  	[tilespmem:s16], [sflag:$0x2] =	stream.indirect_vreg.gather [hbm4b:s4+s3], $0x80, v3, vm0, $0xb8;
	[tilespmem:$0x18100] =	vst v63  }
0xa0: {  	_ = 	snop  }
0xa1: {  	[tilespmem:s17], [sflag:$0x2] =	stream.indirect_vreg.gather [hbm4b:s5+s3], $0x80, v3, vm0, $0xb8;
	[tilespmem:$0x18100] =	vst v63  }
0xa2: {  	v3 =	vld [tilespmem:$0xA0];
	_ =	sdelay $0x4  }
0xa3: {  	v62 =	vshrl.u32 v3, $0x3  }
0xa4: {  	v4 =	vmul.u32 $0x30, v62  }
0xa5: {  	v3 =	vand.u32 $0x7, v3  }
0xa6: {  	v3 =	vor.u32 v3, v4  }
0xa7: {  	v4 =	vperm.xlane v3, v0;
	_ =	sdelay $0x1  }
0xa8: {  	v4 =	vadd.s32 v1, v4;
	_ =	sdelay $0x3  }
0xa9: {  	v3 =	vperm.xlane v3, v2  }
0xaa: {  	[tilespmem:s18], [sflag:$0x2] =	stream.indirect_vreg.gather [hbm4b:s1+s3], $0x80, v4, vm0, $0xb8;
	[tilespmem:$0x18100] =	vst v63  }
0xab: {  	v3 =	vadd.s32 v1, v3  }
0xac: {  	[tilespmem:s19], [sflag:$0x2] =	stream.indirect_vreg.gather [hbm4b:s4+s3], $0x80, v4, vm0, $0xb8;
	[tilespmem:$0x18100] =	vst v63  }
0xad: {  	_ = 	snop  }
0xae: {  	[tilespmem:s20], [sflag:$0x2] =	stream.indirect_vreg.gather [hbm4b:s5+s3], $0x80, v4, vm0, $0xb8;
	[tilespmem:$0x18100] =	vst v63  }
0xaf: {  	_ = 	snop  }
0xb0: {  	[tilespmem:s21], [sflag:$0x2] =	stream.indirect_vreg.gather [hbm4b:s1+s3], $0x80, v3, vm0, $0xb8;
	[tilespmem:$0x18100] =	vst v63  }
0xb1: {  	_ = 	snop  }
0xb2: {  	[tilespmem:s22], [sflag:$0x2] =	stream.indirect_vreg.gather [hbm4b:s4+s3], $0x80, v3, vm0, $0xb8;
	[tilespmem:$0x18100] =	vst v63  }
0xb3: {  	_ = 	snop  }
0xb4: {  	[tilespmem:s23], [sflag:$0x2] =	stream.indirect_vreg.gather [hbm4b:s5+s3], $0x80, v3, vm0, $0xb8;
	[tilespmem:$0x18100] =	vst v63  }
0xb5: {  	v3 =	vld [tilespmem:$0xB0];
	_ =	sdelay $0x4  }
0xb6: {  	v63 =	vshrl.u32 v3, $0x3  }
0xb7: {  	v4 =	vmul.u32 $0x30, v63  }
0xb8: {  	v3 =	vand.u32 $0x7, v3  }
0xb9: {  	v3 =	vor.u32 v3, v4  }
0xba: {  	v4 =	vperm.xlane v3, v0;
	_ =	sdelay $0x1  }
0xbb: {  	v4 =	vadd.s32 v1, v4;
	_ =	sdelay $0x3  }
0xbc: {  	v3 =	vperm.xlane v3, v2  }
0xbd: {  	[tilespmem:s24], [sflag:$0x2] =	stream.indirect_vreg.gather [hbm4b:s1+s3], $0x80, v4, vm0, $0xb8;
	[tilespmem:$0x18100] =	vst v63  }
0xbe: {  	v3 =	vadd.s32 v1, v3  }
0xbf: {  	[tilespmem:s25], [sflag:$0x2] =	stream.indirect_vreg.gather [hbm4b:s4+s3], $0x80, v4, vm0, $0xb8;
	[tilespmem:$0x18100] =	vst v63  }
0xc0: {  	_ = 	snop  }
0xc1: {  	[tilespmem:s26], [sflag:$0x2] =	stream.indirect_vreg.gather [hbm4b:s5+s3], $0x80, v4, vm0, $0xb8;
	[tilespmem:$0x18100] =	vst v63  }
0xc2: {  	_ = 	snop  }
0xc3: {  	[tilespmem:s28], [sflag:$0x2] =	stream.indirect_vreg.gather [hbm4b:s1+s3], $0x80, v3, vm0, $0xb8;
	[tilespmem:$0x18100] =	vst v63  }
0xc4: {  	_ = 	snop  }
0xc5: {  	[tilespmem:s29], [sflag:$0x2] =	stream.indirect_vreg.gather [hbm4b:s4+s3], $0x80, v3, vm0, $0xb8;
	[tilespmem:$0x18100] =	vst v63  }
0xc6: {  	_ = 	snop  }
0xc7: {  	[tilespmem:s30], [sflag:$0x2] =	stream.indirect_vreg.gather [hbm4b:s5+s3], $0x80, v3, vm0, $0xb8;
	[tilespmem:$0x18100] =	vst v63  }
0xc8: {  	_ =	swait.ge [sflag:s31], $0xC000  }
0xc9: {  	[sflag:s31] =	ssyncset.done $0x0  }
0xca: {  	s10 =	rddreg [dreg:$0x5];
	[sflag:s31] =	ssyncadd.s32 $0xFFFF4000  }
0xcb: {  	[hbm4b:s10+s3] =	stream.linear.scatter [tilespmem:s8], [sflag:$0x3], $0xC000, $0x38;
	[tilespmem:$0x18100] =	vst v63  }
0xcc: {  	_ =	swait.ge [sflag:s7], $0xC000  }
0xcd: {  	[sflag:s7] =	ssyncset.done $0x0  }
0xce: {  	[sflag:s7] =	ssyncadd.s32 $0xFFFF4000  }
0xcf: {  	_ =	swait.ge [sflag:s0], $0xC000  }
0xd0: {  	p0 =	sne.s32 s6, $0x1;
	[sflag:s0] =	ssyncset.done $0x0  }
.Ltmp0:
0xd1: {  	s10 =	rddreg [dreg:$0x6];
	[sflag:s0] =	ssyncadd.s32 $0xFFFF4000;
	(pc) =	sbr.rel @p0 .LBB2_1-.Ltmp0, $4  }
0xd2: {  	[hbm4b:s10+s3] =	stream.linear.scatter [tilespmem:s9], [sflag:$0x3], $0xC000, $0x38;
	[tilespmem:$0x18100] =	vst v63  }
0xd3: {  	_ =	swait.ge [sflag:s7], $0xC000  }
0xd4: {  	[sflag:s7] =	ssyncset.done $0x0  }
0xd5: {  	s6 =	sadd.s32 $0xFFFFFFFF, s6;
	[sflag:s7] =	ssyncadd.s32 $0xFFFF4000  }
0xd6: {  	_ =	sfence.sel $0x180000  }
0xd7: {  	[bflag:$0x0] =	sbarrier.arrive $0xFFFF  }
0xd8: {  	_ =	strace $0x90000047  }
0xd9: {  	s0 =	stileid.u32;
	[bflag:$0x2] =	sbarrier.arrive $0xFFFF  }
0xda: {  	p0 =	sne.s32 s0, $0x0;
	s0 =	rddreg [dreg:$0x2]  }
0xdb: {  	s0 =	sadd.s32 @!p0 $0x100000, s0  }
0xdc: {  	[sflag:s0] =	ssyncadd.tile.s32 @!p0 $0x1;
	_ =	shalt  }
.Lfunc_end2:
_tile_overlayer_lowered:
.L_overlay_start_2:
0xdd: {  	(tag) =	ssettag $0x2  }
0xde: {  	s0 =	rddreg [dreg:$0x0];
	s2 =	stileid.u32  }
0xdf: {  	s1 =	rddreg [dreg:$0x1];
	p0 =	sne.s32 s2, $0x0  }
0xe0: {  	s3 =	rddreg [dreg:$0x2];
	[bflag:$0x3] =	sbarrier.arrive $0xFFFF;
	s2 =	simm.s32 @!p0 $0x1C03  }
0xe1: {  	[timem:s3], [sflag:s2] =	dma.local @!p0 [hbm:s0], s1  }
0xe2: {  	s0 =	simm.s32 @!p0 $0x3  }
0xe3: {  	_ =	swait.ge @!p0 [sflag:s0], s1  }
0xe4: {  	s1 =	ssub.s32 @!p0 $0x0, s1;
	[sflag:s0] =	ssyncset.done @!p0 $0x0  }
0xe5: {  	[sflag:s0] =	ssyncadd.s32 @!p0 s1  }
0xe6: {  	[bflag:$0x3] =	sbarrier.arrive $0xFFFF  }
0xe7: {  	_ =	shalt  }

// kernel: kernel.9.cloned.1.call-start
scs
__scs_entry_jumppad:
0x0: {  	(pc) =	sbr.rel $0x88, $3  }
0x1: {  	(tag) =	ssettag $0x0;
	lr =	simm.s32 $0x1  }
0x2: {  	[smem:$0x3F9B] =	sst lr;
	_ =	strace $0xD0000000  }
0x3: {  	_ = 	snop  }
0x4: {  	_ = 	snop  }
0x5: {  	_ = 	snop  }
0x6: {  	_ = 	snop  }
0x7: {  	_ = 	snop  }
__scs_overlays_trampoline_lowered:
0x8: {  	[smem:$0x3FAA] =	sst s0  }
0x9: {  	[smem:$0x3FAB] =	sst s1  }
0xa: {  	[smem:$0x3FAC] =	sst s2  }
0xb: {  	[smem:$0x3FAD] =	sst s3  }
0xc: {  	[smem:$0x3FAE] =	sst s4  }
0xd: {  	[smem:$0x3FAF] =	sst s5  }
0xe: {  	[smem:$0x3FB0] =	sst s6  }
0xf: {  	[smem:$0x3FB1] =	sst s7  }
0x10: {  	[smem:$0x3FB2] =	sst s8  }
0x11: {  	[smem:$0x3FB3] =	sst s9;
	s0 =	simm.s32 @!p0 $0x0  }
0x12: {  	s1 =	sld [smem:$0x3F99];
	s0 =	simm.s32 @p0 $0x1  }
0x13: {  	[smem:$0x3FB4] =	sst s0;
	s0 =	simm.s32 @!p1 $0x0  }
0x14: {  	s2 =	sld [smem:$0x3F98];
	s0 =	simm.s32 @p1 $0x1  }
0x15: {  	[smem:$0x3FB5] =	sst s0;
	s0 =	simm.s32 @!p2 $0x0  }
0x16: {  	s3 =	sld [smem:$0x3FDB];
	s0 =	simm.s32 @p2 $0x1  }
0x17: {  	s4 =	simm.s32 $0x1BF5;
	[smem:$0x3FB7] =	sst s0  }
0x18: {  	s0 =	sld [smem:$0x3F9A];
	_ =	swait.ge [sflag:s4], $0x0  }
0x19: {  	s7 =	sld [smem:$0x3F9B]  }
0x1a: {  	s8 =	sadd.s32 $0xFFFFE003, lr  }
0x1b: {  	s9 =	sadd.s32 $0xFFFFFEF7, lr;
	s5 =	simm.s32 $0xFFFFFFFF;
	p2 =	slt.u32 s8, $0xFFFFF086  }
0x1c: {  	p1 =	slt.u32 s9, $0xF7A;
	s5 =	simm.s32 @!p2 $0x0  }
0x1d: {  	s5 =	simm.s32 @p1 $0x1;
	p0 =	seq.s32 s7, s2  }
0x1e: {  	s7 =	smul.u32 @!p0 $0xF7A, s2;
	p2 =	seq.s32 @!p0 s5, $0x0  }
0x1f: {  	s9 =	smul.u32 $0xF7A, s1;
	s8 =	simm.s32 @!p0 $0x1BF5;
	p2 =	por !p2, p0  }
0x20: {  	[sflag:s8] =	ssyncset.s32 @!p0 $0xFFFFF086;
	s6 =	sadd.s32 @!p0 s3, s7;
	s7 =	simm.s32 @!p0 $0x108  }
0x21: {  	s3 =	sadd.s32 s3, s9;
	s6 =	sadd.s32 @!p0 $0x88, s6;
	s7 =	simm.s32 @p2 $0x1082  }
0x22: {  	[simem:s7], [sflag:s8] =	dma.local @!p0 [hbm:s6], $0xF7A  }
0x23: {  	s9 =	sor.u32 $0xD0000000, s2;
	s6 =	simm.s32 $0x108;
	_ =	swait.ge @!p0 [sflag:s8], $0x0  }
0x24: {  	s3 =	sadd.s32 $0x88, s3;
	s6 =	simm.s32 @!p1 $0x1082;
	[sflag:s4] =	ssyncset.s32 $0xFFFFF086  }
0x25: {  	[simem:s6], [sflag:s4] =	dma.local [hbm:s3], $0xF7A  }
0x26: {  	[smem:$0x3F9B] =	sst s1;
	(tag) =	ssettag s2;
	_ =	strace s9  }
0x27: {  	s1 =	sld [smem:$0x3FAB]  }
0x28: {  	s2 =	sld [smem:$0x3FAC]  }
0x29: {  	s4 =	sld [smem:$0x3FAE]  }
0x2a: {  	p0 =	seq.s32 s5, $0x0;
	s5 =	sld [smem:$0x3FAF]  }
0x2b: {  	s6 =	sld [smem:$0x3FB0]  }
0x2c: {  	s7 =	sld [smem:$0x3FB1]  }
0x2d: {  	s3 =	simm.s32 $0x108;
	s8 =	sld [smem:$0x3FB2]  }
0x2e: {  	s3 =	simm.s32 @!p0 $0x1082;
	s9 =	sld [smem:$0x3FB3]  }
0x2f: {  	lr =	sadd.s32 s0, s3;
	s0 =	sld [smem:$0x3FAA]  }
0x30: {  	s3 =	sld [smem:$0x3FAD]  }
0x31: {  	[smem:$0x3FB6] =	sst s10  }
0x32: {  	s10 =	sld [smem:$0x3FB4];
	_ =	sdelay $0x3  }
0x33: {  	p0 =	seq.s32 s10, $0x1;
	s10 =	sld [smem:$0x3FB6];
	_ =	sdelay $0x3  }
0x34: {  	[smem:$0x3FB6] =	sst s10  }
0x35: {  	s10 =	sld [smem:$0x3FB5];
	_ =	sdelay $0x3  }
0x36: {  	p1 =	seq.s32 s10, $0x1;
	s10 =	sld [smem:$0x3FB6];
	_ =	sdelay $0x3  }
0x37: {  	[smem:$0x3FB6] =	sst s10  }
0x38: {  	s10 =	sld [smem:$0x3FB7]  }
0x39: {  	_ = 	snop;
	(pc) =	sbr.ind lr, $3  }
0x3a: {  	_ = 	snop  }
0x3b: {  	_ = 	snop  }
0x3c: {  	p2 =	seq.s32 s10, $0x1;
	s10 =	sld [smem:$0x3FB6]  }
0x3d: {  	_ =	shalt  }
0x3e: {  	_ =	shalt  }
0x3f: {  	_ =	shalt  }
0x40: {  	_ =	shalt  }
0x41: {  	_ =	shalt  }
0x42: {  	_ =	shalt  }
0x43: {  	_ =	shalt  }
0x44: {  	_ =	shalt  }
0x45: {  	_ =	shalt  }
0x46: {  	_ =	shalt  }
0x47: {  	_ =	shalt  }
0x48: {  	_ =	shalt  }
0x49: {  	_ =	shalt  }
0x4a: {  	_ =	shalt  }
0x4b: {  	_ =	shalt  }
0x4c: {  	_ =	shalt  }
0x4d: {  	_ =	shalt  }
0x4e: {  	_ =	shalt  }
0x4f: {  	_ =	shalt  }
0x50: {  	_ =	shalt  }
0x51: {  	_ =	shalt  }
0x52: {  	_ =	shalt  }
0x53: {  	_ =	shalt  }
0x54: {  	_ =	shalt  }
0x55: {  	_ =	shalt  }
0x56: {  	_ =	shalt  }
0x57: {  	_ =	shalt  }
0x58: {  	_ =	shalt  }
0x59: {  	_ =	shalt  }
0x5a: {  	_ =	shalt  }
0x5b: {  	_ =	shalt  }
0x5c: {  	_ =	shalt  }
0x5d: {  	_ =	shalt  }
0x5e: {  	_ =	shalt  }
0x5f: {  	_ =	shalt  }
0x60: {  	_ =	shalt  }
0x61: {  	_ =	shalt  }
0x62: {  	_ =	shalt  }
0x63: {  	_ =	shalt  }
0x64: {  	_ =	shalt  }
0x65: {  	_ =	shalt  }
0x66: {  	_ =	shalt  }
0x67: {  	_ =	shalt  }
0x68: {  	_ =	shalt  }
0x69: {  	_ =	shalt  }
0x6a: {  	_ =	shalt  }
0x6b: {  	_ =	shalt  }
0x6c: {  	_ =	shalt  }
0x6d: {  	_ =	shalt  }
0x6e: {  	_ =	shalt  }
0x6f: {  	_ =	shalt  }
0x70: {  	_ =	shalt  }
0x71: {  	_ =	shalt  }
0x72: {  	_ =	shalt  }
0x73: {  	_ =	shalt  }
0x74: {  	_ =	shalt  }
0x75: {  	_ =	shalt  }
0x76: {  	_ =	shalt  }
0x77: {  	_ =	shalt  }
0x78: {  	_ =	shalt  }
0x79: {  	_ =	shalt  }
0x7a: {  	_ =	shalt  }
0x7b: {  	_ =	shalt  }
0x7c: {  	_ =	shalt  }
0x7d: {  	_ =	shalt  }
0x7e: {  	_ =	shalt  }
0x7f: {  	_ =	shalt  }
0x80: {  	_ =	shalt  }
0x81: {  	_ =	shalt  }
0x82: {  	_ =	shalt  }
0x83: {  	_ =	shalt  }
0x84: {  	_ =	shalt  }
0x85: {  	_ =	shalt  }
0x86: {  	_ =	shalt  }
0x87: {  	_ =	shalt  }
.Lfunc_end0:
.L_simem_size_0:
called_computation.1_lowered:
.L_overlay_start_0:
0x88: {  	s2 =	sld [smem:$0x3FD9]  }
0x89: {  	s3 =	sld [smem:$0x3FFE];
	_ =	sdelay $0x1  }
0x8a: {  	s1 =	srdreg.scid  }
0x8b: {  	s0 =	sand.u32 $0x1, s1  }
0x8c: {  	s17 =	sshll.u32 s0, $0xA;
	s2 =	sadd.s32 s3, s2  }
0x8d: {  	s2 =	sadd.s32 s2, s17  }
0x8e: {  	[smem:$0x3FC2] =	sst s2  }
0x8f: {  	_ = 	snop  }
0x90: {  	s2 =	sld [smem:$0x3FD0];
	(tm) =	ssettm $0x1  }
0x91: {  	s18 =	sld [smem:$0x3FFB];
	_ =	sdelay $0x3  }
0x92: {  	_ =	strace s18  }
0x93: {  	s3 =	sld [smem:$0x3FFC];
	_ =	sdelay $0x3  }
0x94: {  	_ =	strace s3  }
0x95: {  	s3 =	sld [smem:$0x3FFD];
	_ =	sdelay $0x3  }
0x96: {  	_ =	strace s3  }
0x97: {  	_ =	strace $0x8FFFFFFF  }
0x98: {  	s19 =	sld [smem:$0x3FDB];
	_ =	sdelay $0x1  }
0x99: {  	s4 =	simm.s32 $_scs_section_size  }
0x9a: {  	s5 =	simm.s32 $_size__tile_overlayer_lowered;
	s6 =	simm.s32 $_tile_overlayer_lowered  }
0x9b: {  	s22 =	simm.s32 $0x1BFF;
	s21 =	sshll.u32 s6, $0x1;
	s3 =	sadd.s32 s4, s19  }
0x9c: {  	s7 =	simm.s32 $0x0;
	s20 =	sshll.u32 s5, $0x1;
	s5 =	sadd.s32 s21, s3  }
0x9d: {  	[timem:s7], [sflag:s22] =	dma.local [hbm:s5], s20  }
0x9e: {  	_ =	swait.ge [sflag:s22], s20  }
0x9f: {  	s4 =	ssub.s32 $0x0, s20;
	[sflag:s22] =	ssyncset.done $0x0  }
0xa0: {  	[sflag:s22] =	ssyncadd.s32 s4;
	_ =	sdelay $0x1  }
0xa1: {  	s23 =	simm.s32 $0x1B8B  }
0xa2: {  	_ =	swait.ge [sflag:s23], $0x1  }
0xa3: {  	[sflag:s23] =	ssyncset.done $0x0  }
0xa4: {  	s25 =	simm.s32 $0x1B8E;
	s24 =	sld [smem:$0x3FFE];
	[sflag:s23] =	ssyncadd.s32 $0xFFFFFFFF  }
0xa5: {  	s26 =	simm.s32 $execute0_lowered;
	[smem:$0x3FD2] =	sst s25  }
0xa6: {  	s5 =	sshll.u32 s26, $0x1;
	_ =	strace $0x80000049;
	[dreg:$0x1] =	wrdreg $0xFFFFFFFF  }
0xa7: {  	s28 =	simm.s32 $_size_execute0_lowered;
	s3 =	sadd.s32 s3, s5;
	[dreg:$0x0] =	wrdreg $0x0  }
0xa8: {  	s5 =	sshll.u32 s28, $0x1;
	[dreg:$0x2] =	wrdreg s3  }
0xa9: {  	[dreg:$0x3] =	wrdreg s5  }
0xaa: {  	[dreg:$0x4] =	wrdreg $0xC0  }
0xab: {  	_ =	task [dreg:s7], $0x5FFFF  }
0xac: {  	[dreg:$0x1] =	wrdreg $0xFFFFFFFF  }
0xad: {  	[dreg:$0x0] =	wrdreg $0x60  }
0xae: {  	[dreg:$0x2] =	wrdreg s24  }
0xaf: {  	[dreg:$0x3] =	wrdreg s2  }
0xb0: {  	[dreg:$0x4] =	wrdreg $0x9  }
0xb1: {  	_ =	task.clear_ibuf [dreg:s7], $0x5FFFF;
	_ =	strace $0x90000049  }
0xb2: {  	s29 =	simm.s32 $0x9;
	_ =	strace $0x8000004B  }
0xb3: {  	_ =	swait.ge [sflag:s29], $0x1  }
0xb4: {  	[sflag:s29] =	ssyncadd.s32 $0xFFFFFFFF  }
0xb5: {  	_ =	strace $0x9000004B  }
0xb6: {  	_ =	sfence  }
0xb7: {  	s30 =	sld [smem:$0x0];
	_ =	sdelay $0x2  }
0xb8: {  	s31 =	sshll.u32 s1, $0xD;
	s1 =	sshrl.u32 s1, $0x2  }
0xb9: {  	s3 =	sand.u32 $0x4000, s31;
	s1 =	sadd.s32 s1, s30  }
0xba: {  	s0 =	sor.u32 s3, s0;
	s1 =	sshll.u32 s1, $0x11  }
0xbb: {  	s0 =	sor.u32 s1, s0  }
0xbc: {  	s0 =	sadd.s32 $0x8F2B, s0  }
0xbd: {  	[sflag:s0] =	ssyncadd.remote.s32 $0x1  }
0xbe: {  	_ =	sfence.sel $0xFFFF  }
0xbf: {  	[dreg:$0x0] =	wrdreg $0xFFFFFFFF;
	(pc) =	sbr.abs _section_cstart, $3  }
0xc0: {  	[dreg:$0x1] =	wrdreg $0xFFFFFFFF  }
0xc1: {  	_ =	task.clear_ibuf [dreg:s7], $0x2FFFF;
	_ =	strace $0x9FFFFFFF  }
0xc2: {  	(tm) =	ssettm $0x7FFFFFFF  }
0xc3: {  	_ =	shalt  }
tec
execute0_lowered:
.L_overlay_start_1:
0x0: {  	(tag) =	ssettag $0x1  }
0x1: {  	s0 =	rddreg [dreg:$0x0]  }
0x2: {  	s5 =	rddreg [dreg:$0x1];
	s3 =	srdreg.scid  }
0x3: {  	s2 =	simm.s32 $0x0;
	s1 =	stileid.u32;
	s26 =	simm.s32 $0x880  }
0x4: {  	s10 =	simm.s32 $0x1880;
	s11 =	simm.s32 $0x2080;
	s12 =	simm.s32 $0x2880  }
0x5: {  	s13 =	simm.s32 $0x3080;
	s14 =	simm.s32 $0x3880;
	s15 =	simm.s32 $0x4080  }
0x6: {  	s16 =	simm.s32 $0x4880;
	s17 =	simm.s32 $0x5080;
	s18 =	simm.s32 $0x5880  }
0x7: {  	s19 =	simm.s32 $0x6080;
	s20 =	simm.s32 $0x6880;
	s21 =	simm.s32 $0x7080  }
0x8: {  	s22 =	simm.s32 $0x7880;
	s28 =	simm.s32 $0xA080;
	s29 =	simm.s32 $0xA880  }
0x9: {  	s30 =	simm.s32 $0xB080;
	s31 =	simm.s32 $0xB880;
	s3 =	sand.u32 $0x1, s3  }
0xa: {  	[smem:$0x7FF] =	sst s2;
	s4 =	sshll.u32 s1, $0x4;
	s6 =	sshll.u32 s3, $0x3  }
0xb: {  	_ =	strace $0x8000004A;
	s23 =	ssub.s32 $0x2, s3;
	s3 =	sadd.s32 $0x68E00, s0  }
0xc: {  	[dreg:$0x5] =	wrdreg s26;
	s26 =	simm.s32 $0x9880;
	s4 =	sor.u32 s6, s4  }
0xd: {  	s8 =	sshrl.u32 s23, $0x1;
	s7 =	sadd.s32 s4, s0;
	s9 =	smul.u32 $0x300, s4  }
0xe: {  	s6 =	ssub.s32 s23, s8;
	s4 =	sadd.s32 $0x68F00, s0;
	s8 =	simm.s32 $0x80  }
0xf: {  	s23 =	simm.s32 $0x8080;
	s24 =	sadd.s32 $0x68C00, s7;
	s6 =	smax.u32 s6, $0x1  }
0x10: {  	v2 =	vlaneseq.u32;
	s7 =	simm.s32 $0x2;
	[dreg:$0x3] =	wrdreg s24;
	s25 =	sadd.s32 s5, s9  }
0x11: {  	vm0 =	vmmov $0xffff;
	v1 =	vshrl.u32 v2, $0x3;
	s5 =	sadd.s32 $0x69000, s0;
	s9 =	simm.s32 $0x1080;
	s24 =	simm.s32 $0x8880  }
0x12: {  	v0 =	vand.u32 $0x7, v2;
	v2 =	vor.u32 $0x8, v2;
	v1 =	vmul.u32 $0x8, v1;
	s0 =	simm.s32 $0x1;
	[dreg:$0x4] =	wrdreg s25;
	s25 =	simm.s32 $0x9080  }
.LBB2_1:
0x13: {  	s1 =	rddreg [dreg:$0x3]  }
0x14: {  	[tilespmem:s2], [sflag:$0x2] =	stream.linear.gather [hbm4b:s1+s2], $0x40, $0x38;
	[tilespmem:$0xC080] =	vst v63  }
0x15: {  	_ =	swait.ge [sflag:s7], $0x40  }
0x16: {  	[sflag:s7] =	ssyncset.done $0x0  }
0x17: {  	[sflag:s7] =	ssyncadd.s32 $0xFFFFFFC0  }
0x18: {  	v3 =	vld [tilespmem:$0x0];
	_ =	sdelay $0x4  }
0x19: {  	v4 =	vshrl.u32 v3, $0x3  }
0x1a: {  	v4 =	vmul.u32 $0x30, v4  }
0x1b: {  	v3 =	vand.u32 $0x7, v3  }
0x1c: {  	v3 =	vor.u32 v3, v4  }
0x1d: {  	v4 =	vperm.xlane v3, v0;
	_ =	sdelay $0x1  }
0x1e: {  	v4 =	vadd.s32 v1, v4;
	_ =	sdelay $0x3  }
0x1f: {  	v3 =	vperm.xlane v3, v2  }
0x20: {  	[tilespmem:s8], [sflag:$0x1] =	stream.indirect_vreg.gather [hbm4b:s3+s2], $0x80, v4, vm0, $0xb8;
	[tilespmem:$0xC080] =	vst v63  }
0x21: {  	s1 =	rddreg [dreg:$0x5];
	v3 =	vadd.s32 v1, v3  }
0x22: {  	[tilespmem:s1], [sflag:$0x1] =	stream.indirect_vreg.gather [hbm4b:s4+s2], $0x80, v4, vm0, $0xb8;
	[tilespmem:$0xC080] =	vst v63  }
0x23: {  	_ = 	snop  }
0x24: {  	[tilespmem:s9], [sflag:$0x1] =	stream.indirect_vreg.gather [hbm4b:s5+s2], $0x80, v4, vm0, $0xb8;
	[tilespmem:$0xC080] =	vst v63  }
0x25: {  	_ = 	snop  }
0x26: {  	[tilespmem:s10], [sflag:$0x1] =	stream.indirect_vreg.gather [hbm4b:s3+s2], $0x80, v3, vm0, $0xb8;
	[tilespmem:$0xC080] =	vst v63  }
0x27: {  	_ = 	snop  }
0x28: {  	[tilespmem:s11], [sflag:$0x1] =	stream.indirect_vreg.gather [hbm4b:s4+s2], $0x80, v3, vm0, $0xb8;
	[tilespmem:$0xC080] =	vst v63  }
0x29: {  	_ = 	snop  }
0x2a: {  	[tilespmem:s12], [sflag:$0x1] =	stream.indirect_vreg.gather [hbm4b:s5+s2], $0x80, v3, vm0, $0xb8;
	[tilespmem:$0xC080] =	vst v63  }
0x2b: {  	v3 =	vld [tilespmem:$0x10];
	_ =	sdelay $0x4  }
0x2c: {  	v61 =	vshrl.u32 v3, $0x3  }
0x2d: {  	v4 =	vmul.u32 $0x30, v61  }
0x2e: {  	v3 =	vand.u32 $0x7, v3  }
0x2f: {  	v3 =	vor.u32 v3, v4  }
0x30: {  	v4 =	vperm.xlane v3, v0;
	_ =	sdelay $0x1  }
0x31: {  	v4 =	vadd.s32 v1, v4;
	_ =	sdelay $0x3  }
0x32: {  	v3 =	vperm.xlane v3, v2  }
0x33: {  	[tilespmem:s13], [sflag:$0x1] =	stream.indirect_vreg.gather [hbm4b:s3+s2], $0x80, v4, vm0, $0xb8;
	[tilespmem:$0xC080] =	vst v63  }
0x34: {  	v3 =	vadd.s32 v1, v3  }
0x35: {  	[tilespmem:s14], [sflag:$0x1] =	stream.indirect_vreg.gather [hbm4b:s4+s2], $0x80, v4, vm0, $0xb8;
	[tilespmem:$0xC080] =	vst v63  }
0x36: {  	_ = 	snop  }
0x37: {  	[tilespmem:s15], [sflag:$0x1] =	stream.indirect_vreg.gather [hbm4b:s5+s2], $0x80, v4, vm0, $0xb8;
	[tilespmem:$0xC080] =	vst v63  }
0x38: {  	_ = 	snop  }
0x39: {  	[tilespmem:s16], [sflag:$0x1] =	stream.indirect_vreg.gather [hbm4b:s3+s2], $0x80, v3, vm0, $0xb8;
	[tilespmem:$0xC080] =	vst v63  }
0x3a: {  	_ = 	snop  }
0x3b: {  	[tilespmem:s17], [sflag:$0x1] =	stream.indirect_vreg.gather [hbm4b:s4+s2], $0x80, v3, vm0, $0xb8;
	[tilespmem:$0xC080] =	vst v63  }
0x3c: {  	_ = 	snop  }
0x3d: {  	[tilespmem:s18], [sflag:$0x1] =	stream.indirect_vreg.gather [hbm4b:s5+s2], $0x80, v3, vm0, $0xb8;
	[tilespmem:$0xC080] =	vst v63  }
0x3e: {  	v3 =	vld [tilespmem:$0x20];
	_ =	sdelay $0x4  }
0x3f: {  	v62 =	vshrl.u32 v3, $0x3  }
0x40: {  	v4 =	vmul.u32 $0x30, v62  }
0x41: {  	v3 =	vand.u32 $0x7, v3  }
0x42: {  	v3 =	vor.u32 v3, v4  }
0x43: {  	v4 =	vperm.xlane v3, v0;
	_ =	sdelay $0x1  }
0x44: {  	v4 =	vadd.s32 v1, v4;
	_ =	sdelay $0x3  }
0x45: {  	v3 =	vperm.xlane v3, v2  }
0x46: {  	[tilespmem:s19], [sflag:$0x1] =	stream.indirect_vreg.gather [hbm4b:s3+s2], $0x80, v4, vm0, $0xb8;
	[tilespmem:$0xC080] =	vst v63  }
0x47: {  	v3 =	vadd.s32 v1, v3  }
0x48: {  	[tilespmem:s20], [sflag:$0x1] =	stream.indirect_vreg.gather [hbm4b:s4+s2], $0x80, v4, vm0, $0xb8;
	[tilespmem:$0xC080] =	vst v63  }
0x49: {  	_ = 	snop  }
0x4a: {  	[tilespmem:s21], [sflag:$0x1] =	stream.indirect_vreg.gather [hbm4b:s5+s2], $0x80, v4, vm0, $0xb8;
	[tilespmem:$0xC080] =	vst v63  }
0x4b: {  	_ = 	snop  }
0x4c: {  	[tilespmem:s22], [sflag:$0x1] =	stream.indirect_vreg.gather [hbm4b:s3+s2], $0x80, v3, vm0, $0xb8;
	[tilespmem:$0xC080] =	vst v63  }
0x4d: {  	_ = 	snop  }
0x4e: {  	[tilespmem:s23], [sflag:$0x1] =	stream.indirect_vreg.gather [hbm4b:s4+s2], $0x80, v3, vm0, $0xb8;
	[tilespmem:$0xC080] =	vst v63  }
0x4f: {  	_ = 	snop  }
0x50: {  	[tilespmem:s24], [sflag:$0x1] =	stream.indirect_vreg.gather [hbm4b:s5+s2], $0x80, v3, vm0, $0xb8;
	[tilespmem:$0xC080] =	vst v63  }
0x51: {  	v3 =	vld [tilespmem:$0x30];
	_ =	sdelay $0x4  }
0x52: {  	v63 =	vshrl.u32 v3, $0x3  }
0x53: {  	v4 =	vmul.u32 $0x30, v63  }
0x54: {  	v3 =	vand.u32 $0x7, v3  }
0x55: {  	v3 =	vor.u32 v3, v4  }
0x56: {  	v4 =	vperm.xlane v3, v0;
	_ =	sdelay $0x1  }
0x57: {  	v4 =	vadd.s32 v1, v4;
	_ =	sdelay $0x3  }
0x58: {  	v3 =	vperm.xlane v3, v2  }
0x59: {  	[tilespmem:s25], [sflag:$0x1] =	stream.indirect_vreg.gather [hbm4b:s3+s2], $0x80, v4, vm0, $0xb8;
	[tilespmem:$0xC080] =	vst v63  }
0x5a: {  	v3 =	vadd.s32 v1, v3  }
0x5b: {  	[tilespmem:s26], [sflag:$0x1] =	stream.indirect_vreg.gather [hbm4b:s4+s2], $0x80, v4, vm0, $0xb8;
	[tilespmem:$0xC080] =	vst v63  }
0x5c: {  	_ = 	snop  }
0x5d: {  	[tilespmem:s28], [sflag:$0x1] =	stream.indirect_vreg.gather [hbm4b:s5+s2], $0x80, v4, vm0, $0xb8;
	[tilespmem:$0xC080] =	vst v63  }
0x5e: {  	_ = 	snop  }
0x5f: {  	[tilespmem:s29], [sflag:$0x1] =	stream.indirect_vreg.gather [hbm4b:s3+s2], $0x80, v3, vm0, $0xb8;
	[tilespmem:$0xC080] =	vst v63  }
0x60: {  	_ = 	snop  }
0x61: {  	[tilespmem:s30], [sflag:$0x1] =	stream.indirect_vreg.gather [hbm4b:s4+s2], $0x80, v3, vm0, $0xb8;
	[tilespmem:$0xC080] =	vst v63  }
0x62: {  	_ = 	snop  }
0x63: {  	[tilespmem:s31], [sflag:$0x1] =	stream.indirect_vreg.gather [hbm4b:s5+s2], $0x80, v3, vm0, $0xb8;
	[tilespmem:$0xC080] =	vst v63  }
0x64: {  	_ =	swait.ge [sflag:s0], $0xC000  }
0x65: {  	p0 =	sne.s32 s6, $0x1;
	[sflag:s0] =	ssyncset.done $0x0  }
.Ltmp0:
0x66: {  	s1 =	rddreg [dreg:$0x4];
	[sflag:s0] =	ssyncadd.s32 $0xFFFF4000;
	(pc) =	sbr.rel @p0 .LBB2_1-.Ltmp0, $4  }
0x67: {  	[hbm4b:s1+s2] =	stream.linear.scatter [tilespmem:s8], [sflag:$0x2], $0xC000, $0x38;
	[tilespmem:$0xC080] =	vst v63  }
0x68: {  	_ =	swait.ge [sflag:s7], $0xC000  }
0x69: {  	[sflag:s7] =	ssyncset.done $0x0  }
0x6a: {  	s6 =	sadd.s32 $0xFFFFFFFF, s6;
	[sflag:s7] =	ssyncadd.s32 $0xFFFF4000  }
0x6b: {  	_ =	sfence.sel $0x180000  }
0x6c: {  	[bflag:$0x0] =	sbarrier.arrive $0xFFFF  }
0x6d: {  	_ =	strace $0x9000004A  }
0x6e: {  	s0 =	stileid.u32;
	[bflag:$0x2] =	sbarrier.arrive $0xFFFF  }
0x6f: {  	p0 =	sne.s32 s0, $0x0;
	s0 =	rddreg [dreg:$0x2]  }
0x70: {  	s0 =	sadd.s32 @!p0 $0x100000, s0  }
0x71: {  	[sflag:s0] =	ssyncadd.tile.s32 @!p0 $0x1;
	_ =	shalt  }
.Lfunc_end2:
_tile_overlayer_lowered:
.L_overlay_start_2:
0x72: {  	(tag) =	ssettag $0x2  }
0x73: {  	s0 =	rddreg [dreg:$0x0];
	s2 =	stileid.u32  }
0x74: {  	s1 =	rddreg [dreg:$0x1];
	p0 =	sne.s32 s2, $0x0  }
0x75: {  	s3 =	rddreg [dreg:$0x2];
	[bflag:$0x3] =	sbarrier.arrive $0xFFFF;
	s2 =	simm.s32 @!p0 $0x1C02  }
0x76: {  	[timem:s3], [sflag:s2] =	dma.local @!p0 [hbm:s0], s1  }
0x77: {  	s0 =	simm.s32 @!p0 $0x2  }
0x78: {  	_ =	swait.ge @!p0 [sflag:s0], s1  }
0x79: {  	s1 =	ssub.s32 @!p0 $0x0, s1;
	[sflag:s0] =	ssyncset.done @!p0 $0x0  }
0x7a: {  	[sflag:s0] =	ssyncadd.s32 @!p0 s1  }
0x7b: {  	[bflag:$0x3] =	sbarrier.arrive $0xFFFF  }
0x7c: {  	_ =	shalt  }

</sc_bundles>
